<compile_context>
chip_gen: v7x
topology: tpu7x:2x2x1
jax: 0.10.2.dev20260603
libtpu: 0.0.44.dev20260713+nightly
codegen_flags: <defaults>
</compile_context>

<pallas_src>
import functools

import jax
import jax.numpy as jnp
from jax import lax
from jax.experimental import pallas as pl
from jax.experimental.pallas import tpu as pltpu
from jax.experimental.pallas import tpu_sc as plsc

C, L1, D = 64, 2047, 256
NUM_BINS, HID, BATCH_MAX = 32, 128, 256
L = L1 + 1
N = C * L
TWO_D = 2 * D

NC, NS = 2, 16
NW = NC * NS
ROWS_PER_W = N // NW
BLK = 128
NCHUNK = ROWS_PER_W // BLK
RING = 2
LAG = 1

TCBM = 8192
KTAB = NUM_BINS


def _expr_table_body(bins_ref, w1_ref, b1_ref, w2_ref, b2_ref, out_ref):
    nb, d = out_ref.shape
    bins = bins_ref[...]
    vals = lax.broadcasted_iota(jnp.int32, (nb, 1), 0).astype(jnp.float32)
    h = jnp.maximum(vals * w1_ref[...] + b1_ref[...], 0.0)
    enc = lax.dot_general(h, w2_ref[...], (((1,), (0,)), ((), ())),
                          precision=lax.Precision.DEFAULT) + b2_ref[...]
    sim = lax.dot_general(enc, bins, (((1,), (1,)), ((), ())),
                          precision=lax.Precision.DEFAULT)
    col = lax.broadcasted_iota(jnp.int32, (nb, nb), 1)
    sim = jnp.where(col == 0, -1e30, sim)
    m = jnp.max(sim, axis=-1, keepdims=True)
    p = jnp.exp(sim - m)
    p = p / jnp.sum(p, axis=-1, keepdims=True)
    emb = lax.dot_general(p, bins, (((1,), (0,)), ((), ())),
                          precision=lax.Precision.DEFAULT)
    row = lax.broadcasted_iota(jnp.int32, (nb, d), 0)
    out_ref[...] = jnp.where(row == 0, bins[0:1, :], emb)


def _expr_table(bin_embeddings, w1, b1, w2, b2):
    return pl.pallas_call(
        _expr_table_body,
        out_shape=jax.ShapeDtypeStruct((NUM_BINS, D), jnp.float32),
    )(bin_embeddings, w1.reshape(1, HID), b1.reshape(1, HID),
      w2, b2.reshape(1, D))


def _onehot_rows(e, ct, nrow, ktab):
    k = lax.broadcasted_iota(jnp.int32, (1, ktab), 1)
    oh = (e.reshape(nrow, 1) == k).astype(jnp.bfloat16)
    t1 = ct.astype(jnp.bfloat16)
    r1 = ct - t1.astype(jnp.float32)
    t2 = r1.astype(jnp.bfloat16)
    t3 = (r1 - t2.astype(jnp.float32)).astype(jnp.bfloat16)
    dims = (((1,), (0,)), ((), ()))
    acc = lax.dot_general(oh, t1, dims, preferred_element_type=jnp.float32)
    acc = acc + lax.dot_general(oh, t2, dims,
                                preferred_element_type=jnp.float32)
    acc = acc + lax.dot_general(oh, t3, dims,
                                preferred_element_type=jnp.float32)
    return acc


def _expr_half_body(out_any, eidx_ref, bidx_ref, ct_ref, bt_ref, out_ref):
    del out_any
    out_ref[...] = _onehot_rows(eidx_ref[0, 0, :], ct_ref[...], TCBM, KTAB)

    for cell in range(TCBM // L):
        b = bidx_ref[0, 0, cell]
        m = lax.broadcasted_iota(jnp.int32, (BATCH_MAX, 1), 0) == b
        row = jnp.sum(jnp.where(m, bt_ref[...], 0.0), axis=0, keepdims=True)
        out_ref[pl.ds(cell * L, 1), :] = row


def _expr_half(sc_out, eidx2, bidx_blk, ctable, batch_table):
    return pl.pallas_call(
        _expr_half_body,
        grid=(N // TCBM,),
        in_specs=[
            pl.BlockSpec(memory_space=pl.ANY),
            pl.BlockSpec((1, 1, TCBM), lambda j: (j, 0, 0)),
            pl.BlockSpec((1, 1, 8), lambda j: (j, 0, 0)),
            pl.BlockSpec((KTAB, D), lambda j: (0, 0)),
            pl.BlockSpec((BATCH_MAX, D), lambda j: (0, 0)),
        ],
        out_specs=pl.BlockSpec((TCBM, D), lambda j: (j, 1)),
        out_shape=jax.ShapeDtypeStruct((N, TWO_D), jnp.float32),
        input_output_aliases={0: 0},
    )(sc_out, eidx2, bidx_blk, ctable, batch_table)


def _sc_body(gidx_hbm, cidx_hbm, gene_t, cond_t, out_hbm, *scr):
    gidx_v = scr[0]
    obuf = scr[1:1 + RING]
    ci_v, cbuf, fbuf = scr[1 + RING:4 + RING]
    sem_g = scr[4 + RING:4 + 2 * RING]
    sem_w = scr[4 + 2 * RING:4 + 3 * RING]

    wid = lax.axis_index("s") * NC + lax.axis_index("c")
    base_w = pl.multiple_of(wid * ROWS_PER_W, ROWS_PER_W)
    chunk0 = pl.multiple_of(wid * NCHUNK, NCHUNK)

    pltpu.sync_copy(gidx_hbm.at[pl.ds(chunk0, NCHUNK)], gidx_v)

    def issue_gathers(i, p):
        pltpu.async_copy(gene_t.at[gidx_v.at[i]], obuf[p], sem_g[p])

    def wait_gathers(i, p):
        pltpu.make_async_copy(gene_t.at[gidx_v.at[i]], obuf[p],
                              sem_g[p]).wait()

    def issue_write(i, p):
        base = pl.multiple_of(base_w + i * BLK, BLK)
        pltpu.async_copy(obuf[p], out_hbm.at[pl.ds(base, BLK), pl.ds(0, D)],
                         sem_w[p])

    def wait_write(p):
        pltpu.make_async_copy(obuf[p],
                              out_hbm.at[pl.ds(base_w, BLK), pl.ds(0, D)],
                              sem_w[p]).wait()

    for i in range(LAG):
        issue_gathers(i, i)

    def step(i, p):
        pb = (p + LAG) % RING

        @pl.when(i + LAG < NCHUNK)
        def _():
            @pl.when(i + LAG >= RING)
            def _():
                wait_write(pb)
            issue_gathers(i + LAG, pb)

        wait_gathers(i, p)
        issue_write(i, p)

    def group(j, carry):
        for u in range(RING):
            step(RING * j + u, u)
        return carry

    lax.fori_loop(0, NCHUNK // RING, group, 0)
    for w in range(NCHUNK - RING + LAG, NCHUNK):
        wait_write(w % RING)

    c0 = 2 * wid
    pltpu.sync_copy(cidx_hbm.at[pl.ds(pl.multiple_of(c0 * 4, 8), 8)], ci_v)
    pltpu.async_copy(cond_t.at[ci_v], cbuf, sem_g[0]).wait()
    for cell in range(2):
        row = (c0 + cell) * L
        for j in range(D // 16):
            p = j * 16
            fbuf[0, pl.ds(p, 16)] = cbuf[4 * cell + p // 64, pl.ds(p % 64, 16)]
        pltpu.sync_copy(fbuf, out_hbm.at[pl.ds(row, 1), pl.ds(0, D)])


@functools.partial(jax.jit, static_argnames=())
def _sc_assemble(gidx, cidx, gene_table, cond_table):
    mesh = plsc.VectorSubcoreMesh(core_axis_name="c", subcore_axis_name="s")
    return pl.kernel(
        _sc_body,
        out_type=jax.ShapeDtypeStruct((N, TWO_D), jnp.float32),
        mesh=mesh,
        scratch_types=(
            [pltpu.VMEM((NCHUNK, BLK), jnp.int32)]
            + [pltpu.VMEM((BLK, D), jnp.float32)] * RING
            + [
                pltpu.VMEM((8,), jnp.int32),
                pltpu.VMEM((8, 128), jnp.float32),
                pltpu.VMEM((1, D), jnp.float32),
            ]
            + [pltpu.SemaphoreType.DMA] * (2 * RING)
        ),
    )(gidx, cidx, gene_table, cond_table)


def kernel(gene, expr, cond, batch, pad, gene_table, bin_embeddings,
           W1, b1, W2, b2, cond_table, batch_table):
    expr_table = _expr_table(bin_embeddings, W1, b1, W2, b2)

    zcol = jnp.zeros((C, 1), jnp.int32)
    gidx = jnp.concatenate([zcol, gene], axis=1).reshape(N // BLK, BLK)
    cidx = cond.reshape(-1)

    eidx2 = jnp.concatenate([zcol, expr], axis=1).reshape(N // TCBM, 1, TCBM)
    bidx_blk = jnp.pad(batch.reshape(N // TCBM, 1, TCBM // L),
                       ((0, 0), (0, 0), (0, 8 - TCBM // L)))

    cond_table_p = jnp.pad(cond_table, ((0, 0), (0, 64)))

    sc_out = _sc_assemble(gidx, cidx, gene_table, cond_table_p)
    out = _expr_half(sc_out, eidx2, bidx_blk, expr_table, batch_table)

    final_emb = out.reshape(C, L, TWO_D)
    key_padding_mask = jnp.concatenate(
        [jnp.zeros((C, 1), dtype=bool), pad.astype(bool)], axis=1)
    return (final_emb, key_padding_mask)

# --- scband reference (transcript-rebuilt; emitter-appended) ---
"""Pipeline reference for scband-tomo-embedding-69329362092736 (READ-ONLY COPY).

The authoritative reference and input builder live on the scoring server;
editing this copy changes nothing except your own understanding.
"""

import jax, jax.numpy as jnp
import numpy as np

C, L1, D = 64, 2047, 256
NUM_GENES, NUM_BINS, HID = 60000, 32, 128
COND_MAX, BATCH_MAX = 1024, 256


def setup_inputs(seed: int = 0) -> dict:
    key = jax.random.key(seed)
    ks = jax.random.split(key, 12)
    gene = jax.random.randint(ks[0], (C, L1), 0, NUM_GENES, dtype=jnp.int32)
    expr = jax.random.randint(ks[1], (C, L1), 0, NUM_BINS, dtype=jnp.int32)
    cond = jax.random.randint(ks[2], (C, 4), 0, COND_MAX, dtype=jnp.int32)
    batch = jax.random.randint(ks[3], (C, 1), 0, BATCH_MAX, dtype=jnp.int32)
    pad = jax.random.randint(ks[4], (C, L1), 0, 2, dtype=jnp.int32).astype(bool)
    gene_table = jax.random.normal(ks[5], (NUM_GENES, D), dtype=jnp.float32) * 0.02
    gene_table = gene_table.at[0].set(0.0)  # padding_idx=0 row zeroed
    bin_embeddings = jax.random.normal(ks[6], (NUM_BINS, D), dtype=jnp.float32)
    W1 = jax.random.normal(ks[7], (1, HID), dtype=jnp.float32) * 0.5
    b1 = jnp.zeros((HID,), dtype=jnp.float32)
    W2 = jax.random.normal(ks[8], (HID, D), dtype=jnp.float32) * 0.05
    b2 = jnp.zeros((D,), dtype=jnp.float32)
    cond_table = jax.random.normal(ks[9], (COND_MAX, D // 4), dtype=jnp.float32) * 0.02
    batch_table = jax.random.normal(ks[10], (BATCH_MAX, D), dtype=jnp.float32) * 0.02
    return {
        'gene': gene, 'expr': expr, 'cond': cond, 'batch': batch, 'pad': pad,
        'gene_table': gene_table, 'bin_embeddings': bin_embeddings,
        'W1': W1, 'b1': b1, 'W2': W2, 'b2': b2,
        'cond_table': cond_table, 'batch_table': batch_table,
    }


def reference(gene, expr, cond, batch, pad, gene_table, bin_embeddings, W1, b1, W2, b2, cond_table, batch_table):
    # gene embedding lookup (padding_idx row already zero in table)
    gene_emb = jnp.take(gene_table, gene, axis=0)  # (C, L1, D)

    # ExprMapping (dropout in eval mode -> identity). Compute MLP for all tokens,
    # then overwrite zero-token positions with bin_embeddings[0] (same math as the
    # masked-scatter torch version).
    zero_mask = (expr == 0)
    vals = expr.astype(jnp.float32).reshape(-1, 1)  # (C*L1, 1)
    h = jax.nn.relu(vals @ W1 + b1)
    encoded = h @ W2 + b2                            # (C*L1, D)
    bin_embs = bin_embeddings[1:]                    # (NUM_BINS-1, D)
    sim = encoded @ bin_embs.T                       # (C*L1, NUM_BINS-1)
    probs = jax.nn.softmax(sim, axis=-1)
    emb = (probs @ bin_embs).reshape(gene.shape[0], gene.shape[1], bin_embeddings.shape[1])
    expr_emb = jnp.where(zero_mask[..., None], bin_embeddings[0], emb)  # (C, L1, D)

    Cdim = gene.shape[0]
    cond_emb = jnp.take(cond_table, cond, axis=0).reshape(Cdim, 1, D)   # (C,4,D/4)->(C,1,D)
    batch_emb = jnp.take(batch_table, batch[:, 0], axis=0)[:, None, :]  # (C,1,D)

    cb_emb = jnp.concatenate([cond_emb, batch_emb], axis=-1)   # (C,1,2D)
    ge_emb = jnp.concatenate([gene_emb, expr_emb], axis=-1)    # (C,L1,2D)
    final_emb = jnp.concatenate([cb_emb, ge_emb], axis=1)      # (C,L1+1,2D)

    first_col = jnp.zeros((Cdim, 1), dtype=bool)
    key_padding_mask = jnp.concatenate([first_col, pad.astype(bool)], axis=1)
    return (final_emb, key_padding_mask)

if __name__ == "__main__":
    import jax
    _d = setup_inputs()
    print(jax.jit(kernel)(*tuple(_d.values())))

</pallas_src>

<mosaic_0001>
#map = affine_map<(d0, d1) -> (0, 0)>
#map1 = affine_map<(d0, d1) -> (0)>
module attributes {stable_mosaic.version = 14 : i64} {
  func.func @_sc_body(%arg0: i32, %arg1: i32, %arg2: memref<1024x128xi32, #tpu.memory_space<hbm>>, %arg3: memref<256xi32, #tpu.memory_space<hbm>>, %arg4: memref<60000x256xf32, #tpu.memory_space<hbm>>, %arg5: memref<1024x128xf32, #tpu.memory_space<hbm>>, %arg6: memref<131072x512xf32, #tpu.memory_space<hbm>>, %arg7: memref<32x128xi32, #tpu.memory_space<vmem>>, %arg8: memref<128x256xf32, #tpu.memory_space<vmem>>, %arg9: memref<128x256xf32, #tpu.memory_space<vmem>>, %arg10: memref<8xi32, #tpu.memory_space<vmem>>, %arg11: memref<8x128xf32, #tpu.memory_space<vmem>>, %arg12: memref<1x256xf32, #tpu.memory_space<vmem>>, %arg13: memref<!tpu.dma_semaphore, #tpu.memory_space<semaphore_mem>>, %arg14: memref<!tpu.dma_semaphore, #tpu.memory_space<semaphore_mem>>, %arg15: memref<!tpu.dma_semaphore, #tpu.memory_space<semaphore_mem>>, %arg16: memref<!tpu.dma_semaphore, #tpu.memory_space<semaphore_mem>>) attributes {dimension_semantics = [#tpu.dimension_semantics<core_parallel>, #tpu.dimension_semantics<subcore_parallel>], iteration_bounds = array<i64: 2, 16>, scalar_prefetch = 0 : i64, scratch_operands = 10 : i64, tpu.core_type = #tpu.core_type<sc_vector_subcore>, window_params = [{transform_indices = #map}, {transform_indices = #map1}, {transform_indices = #map}, {transform_indices = #map}, {transform_indices = #map}]} {
    %mul3A = arith.constant 2 : i32
    %mul3A_0 = arith.muli %arg1, %mul3A : i32
    %add3A = arith.addi %mul3A_0, %arg0 : i32
    %mul3A_1 = arith.constant 4096 : i32
    %mul3A_2 = arith.muli %add3A, %mul3A_1 : i32
    %multiple_of3A = tpu.assume_multiple %mul3A_2, 4096 : i32
    %mul3A_3 = arith.constant 32 : i32
    %mul3A_4 = arith.muli %add3A, %mul3A_3 : i32
    %multiple_of3A_5 = tpu.assume_multiple %mul3A_4, 32 : i32
    "tpu.region"() ({
      %run_scoped3A = tpu.sem_alloc : memref<!tpu.dma_semaphore, #tpu.memory_space<semaphore_mem>>
      %dma_start3A_389 = arith.constant 0 : i32
      %dma_start3A_390 = tpu.memref_slice %arg2[%multiple_of3A_5, %dma_start3A_389] : memref<1024x128xi32, #tpu.memory_space<hbm>> -> memref<32x128xi32, #tpu.memory_space<hbm>>
      %dma_start3A_391 = arith.constant 0 : i32
      %dma_start3A_392 = tpu.memref_slice %arg2[%multiple_of3A_5, %dma_start3A_391] : memref<1024x128xi32, #tpu.memory_space<hbm>> -> memref<32x128xi32, #tpu.memory_space<hbm>>
      tpu.enqueue_dma source(%dma_start3A_392 : memref<32x128xi32, #tpu.memory_space<hbm>>) target(%arg7 : memref<32x128xi32, #tpu.memory_space<vmem>>) target_semaphore(%run_scoped3A : memref<!tpu.dma_semaphore, #tpu.memory_space<semaphore_mem>>)
      %dma_wait3A_393 = arith.constant 0 : i32
      %dma_wait3A_394 = tpu.memref_slice %arg2[%multiple_of3A_5, %dma_wait3A_393] : memref<1024x128xi32, #tpu.memory_space<hbm>> -> memref<32x128xi32, #tpu.memory_space<hbm>>
      %dma_wait3A_395 = arith.constant 0 : i32
      %dma_wait3A_396 = tpu.memref_slice %arg2[%multiple_of3A_5, %dma_wait3A_395] : memref<1024x128xi32, #tpu.memory_space<hbm>> -> memref<32x128xi32, #tpu.memory_space<hbm>>
      tpu.wait_dma2 semaphore(%run_scoped3A : memref<!tpu.dma_semaphore, #tpu.memory_space<semaphore_mem>>) src(%dma_wait3A_396 : memref<32x128xi32, #tpu.memory_space<hbm>>) dst(%arg7 : memref<32x128xi32, #tpu.memory_space<vmem>>)
      tpu.yield
    }) : () -> ()
    %dma_start3A = arith.constant 0 : i32
    %dma_start3A_6 = arith.constant 0 : i32
    %dma_start3A_7 = tpu.memref_slice %arg7[%dma_start3A, %dma_start3A_6] : memref<32x128xi32, #tpu.memory_space<vmem>> -> memref<1x128xi32, #tpu.memory_space<vmem>>
    %dma_start3A_8 = tpu.memref_squeeze %dma_start3A_7 : memref<1x128xi32, #tpu.memory_space<vmem>> -> memref<128xi32, #tpu.memory_space<vmem>>
    %dma_start3A_9 = arith.constant 0 : i32
    %dma_start3A_10 = arith.constant 0 : i32
    %dma_start3A_11 = tpu.memref_slice %arg4[%dma_start3A_9, %dma_start3A_10] : memref<60000x256xf32, #tpu.memory_space<hbm>> -> memref<60000x256xf32, #tpu.memory_space<hbm>>
    tpu.enqueue_indirect_dma source(%dma_start3A_11 : memref<60000x256xf32, #tpu.memory_space<hbm>>) target(%arg8 : memref<128x256xf32, #tpu.memory_space<vmem>>) offsets(%dma_start3A_8 : memref<128xi32, #tpu.memory_space<vmem>>) semaphore(%arg13 : memref<!tpu.dma_semaphore, #tpu.memory_space<semaphore_mem>>)
    %scan3A = arith.constant 0 : i32
    %scan3A_12 = arith.constant 0 : i32
    %scan3A_13 = arith.constant 16 : i32
    %scan3A_14 = arith.addi %scan3A_12, %scan3A_13 : i32
    %scan3A_15 = arith.constant 1 : i32
    scf.for %scan3A_389 = %scan3A_12 to %scan3A_14 step %scan3A_15  : i32 {
      %mul3A_390 = arith.constant 2 : i32
      %mul3A_391 = arith.muli %mul3A_390, %scan3A_389 : i32
      %add3A_392 = arith.constant 0 : i32
      %add3A_393 = arith.addi %mul3A_391, %add3A_392 : i32
      %add3A_394 = arith.constant 1 : i32
      %add3A_395 = arith.addi %add3A_393, %add3A_394 : i32
      %lt3A = arith.constant 32 : i32
      %lt3A_396 = arith.cmpi slt, %add3A_395, %lt3A : i32
      %convert_element_type3A = arith.extui %lt3A_396 : i1 to i32
      %cond3A = arith.constant 0 : i32
      %cond3A_397 = arith.cmpi ne, %convert_element_type3A, %cond3A : i32
      scf.if %cond3A_397 {
        %add3A_437 = arith.constant 1 : i32
        %add3A_438 = arith.addi %add3A_393, %add3A_437 : i32
        %ge3A = arith.constant 2 : i32
        %ge3A_439 = arith.cmpi sge, %add3A_438, %ge3A : i32
        %convert_element_type3A_440 = arith.extui %ge3A_439 : i1 to i32
        %cond3A_441 = arith.constant 0 : i32
        %cond3A_442 = arith.cmpi ne, %convert_element_type3A_440, %cond3A_441 : i32
        scf.if %cond3A_442 {
          %dma_wait3A_451 = arith.constant 0 : i32
          %dma_wait3A_452 = tpu.memref_slice %arg6[%multiple_of3A, %dma_wait3A_451] : memref<131072x512xf32, #tpu.memory_space<hbm>> -> memref<128x256xf32, #tpu.memory_space<hbm>>
          %dma_wait3A_453 = arith.constant 0 : i32
          %dma_wait3A_454 = tpu.memref_slice %arg6[%multiple_of3A, %dma_wait3A_453] : memref<131072x512xf32, #tpu.memory_space<hbm>> -> memref<128x256xf32, #tpu.memory_space<hbm>>
          tpu.wait_dma2 semaphore(%arg16 : memref<!tpu.dma_semaphore, #tpu.memory_space<semaphore_mem>>) src(%arg9 : memref<128x256xf32, #tpu.memory_space<vmem>>) dst(%dma_wait3A_454 : memref<128x256xf32, #tpu.memory_space<hbm>>)
        } else {
        }
        %add3A_443 = arith.constant 1 : i32
        %add3A_444 = arith.addi %add3A_393, %add3A_443 : i32
        %dma_start3A_445 = arith.constant 0 : i32
        %dma_start3A_446 = tpu.memref_slice %arg7[%add3A_444, %dma_start3A_445] : memref<32x128xi32, #tpu.memory_space<vmem>> -> memref<1x128xi32, #tpu.memory_space<vmem>>
        %dma_start3A_447 = tpu.memref_squeeze %dma_start3A_446 : memref<1x128xi32, #tpu.memory_space<vmem>> -> memref<128xi32, #tpu.memory_space<vmem>>
        %dma_start3A_448 = arith.constant 0 : i32
        %dma_start3A_449 = arith.constant 0 : i32
        %dma_start3A_450 = tpu.memref_slice %arg4[%dma_start3A_448, %dma_start3A_449] : memref<60000x256xf32, #tpu.memory_space<hbm>> -> memref<60000x256xf32, #tpu.memory_space<hbm>>
        tpu.enqueue_indirect_dma source(%dma_start3A_450 : memref<60000x256xf32, #tpu.memory_space<hbm>>) target(%arg9 : memref<128x256xf32, #tpu.memory_space<vmem>>) offsets(%dma_start3A_447 : memref<128xi32, #tpu.memory_space<vmem>>) semaphore(%arg14 : memref<!tpu.dma_semaphore, #tpu.memory_space<semaphore_mem>>)
      } else {
      }
      %dma_wait3A_398 = arith.constant 0 : i32
      %dma_wait3A_399 = tpu.memref_slice %arg7[%add3A_393, %dma_wait3A_398] : memref<32x128xi32, #tpu.memory_space<vmem>> -> memref<1x128xi32, #tpu.memory_space<vmem>>
      %dma_wait3A_400 = tpu.memref_squeeze %dma_wait3A_399 : memref<1x128xi32, #tpu.memory_space<vmem>> -> memref<128xi32, #tpu.memory_space<vmem>>
      %dma_wait3A_401 = arith.constant 0 : i32
      %dma_wait3A_402 = arith.constant 0 : i32
      %dma_wait3A_403 = tpu.memref_slice %arg4[%dma_wait3A_401, %dma_wait3A_402] : memref<60000x256xf32, #tpu.memory_space<hbm>> -> memref<60000x256xf32, #tpu.memory_space<hbm>>
      tpu.wait_indirect_dma semaphore(%arg13 : memref<!tpu.dma_semaphore, #tpu.memory_space<semaphore_mem>>) src(%dma_wait3A_403 : memref<60000x256xf32, #tpu.memory_space<hbm>>) dst(%arg8 : memref<128x256xf32, #tpu.memory_space<vmem>>)
      %mul3A_404 = arith.constant 128 : i32
      %mul3A_405 = arith.muli %add3A_393, %mul3A_404 : i32
      %add3A_406 = arith.addi %multiple_of3A, %mul3A_405 : i32
      %multiple_of3A_407 = tpu.assume_multiple %add3A_406, 128 : i32
      %dma_start3A_408 = arith.constant 0 : i32
      %dma_start3A_409 = tpu.memref_slice %arg6[%multiple_of3A_407, %dma_start3A_408] : memref<131072x512xf32, #tpu.memory_space<hbm>> -> memref<128x256xf32, #tpu.memory_space<hbm>>
      %dma_start3A_410 = arith.constant 0 : i32
      %dma_start3A_411 = tpu.memref_slice %arg6[%multiple_of3A_407, %dma_start3A_410] : memref<131072x512xf32, #tpu.memory_space<hbm>> -> memref<128x256xf32, #tpu.memory_space<hbm>>
      tpu.enqueue_dma source(%arg8 : memref<128x256xf32, #tpu.memory_space<vmem>>) target(%dma_start3A_411 : memref<128x256xf32, #tpu.memory_space<hbm>>) target_semaphore(%arg15 : memref<!tpu.dma_semaphore, #tpu.memory_space<semaphore_mem>>)
      %mul3A_412 = arith.constant 2 : i32
      %mul3A_413 = arith.muli %mul3A_412, %scan3A_389 : i32
      %add3A_414 = arith.constant 1 : i32
      %add3A_415 = arith.addi %mul3A_413, %add3A_414 : i32
      %add3A_416 = arith.constant 1 : i32
      %add3A_417 = arith.addi %add3A_415, %add3A_416 : i32
      %lt3A_418 = arith.constant 32 : i32
      %lt3A_419 = arith.cmpi slt, %add3A_417, %lt3A_418 : i32
      %convert_element_type3A_420 = arith.extui %lt3A_419 : i1 to i32
      %cond3A_421 = arith.constant 0 : i32
      %cond3A_422 = arith.cmpi ne, %convert_element_type3A_420, %cond3A_421 : i32
      scf.if %cond3A_422 {
        %add3A_437 = arith.constant 1 : i32
        %add3A_438 = arith.addi %add3A_415, %add3A_437 : i32
        %ge3A = arith.constant 2 : i32
        %ge3A_439 = arith.cmpi sge, %add3A_438, %ge3A : i32
        %convert_element_type3A_440 = arith.extui %ge3A_439 : i1 to i32
        %cond3A_441 = arith.constant 0 : i32
        %cond3A_442 = arith.cmpi ne, %convert_element_type3A_440, %cond3A_441 : i32
        scf.if %cond3A_442 {
          %dma_wait3A_451 = arith.constant 0 : i32
          %dma_wait3A_452 = tpu.memref_slice %arg6[%multiple_of3A, %dma_wait3A_451] : memref<131072x512xf32, #tpu.memory_space<hbm>> -> memref<128x256xf32, #tpu.memory_space<hbm>>
          %dma_wait3A_453 = arith.constant 0 : i32
          %dma_wait3A_454 = tpu.memref_slice %arg6[%multiple_of3A, %dma_wait3A_453] : memref<131072x512xf32, #tpu.memory_space<hbm>> -> memref<128x256xf32, #tpu.memory_space<hbm>>
          tpu.wait_dma2 semaphore(%arg15 : memref<!tpu.dma_semaphore, #tpu.memory_space<semaphore_mem>>) src(%arg8 : memref<128x256xf32, #tpu.memory_space<vmem>>) dst(%dma_wait3A_454 : memref<128x256xf32, #tpu.memory_space<hbm>>)
        } else {
        }
        %add3A_443 = arith.constant 1 : i32
        %add3A_444 = arith.addi %add3A_415, %add3A_443 : i32
        %dma_start3A_445 = arith.constant 0 : i32
        %dma_start3A_446 = tpu.memref_slice %arg7[%add3A_444, %dma_start3A_445] : memref<32x128xi32, #tpu.memory_space<vmem>> -> memref<1x128xi32, #tpu.memory_space<vmem>>
        %dma_start3A_447 = tpu.memref_squeeze %dma_start3A_446 : memref<1x128xi32, #tpu.memory_space<vmem>> -> memref<128xi32, #tpu.memory_space<vmem>>
        %dma_start3A_448 = arith.constant 0 : i32
        %dma_start3A_449 = arith.constant 0 : i32
        %dma_start3A_450 = tpu.memref_slice %arg4[%dma_start3A_448, %dma_start3A_449] : memref<60000x256xf32, #tpu.memory_space<hbm>> -> memref<60000x256xf32, #tpu.memory_space<hbm>>
        tpu.enqueue_indirect_dma source(%dma_start3A_450 : memref<60000x256xf32, #tpu.memory_space<hbm>>) target(%arg8 : memref<128x256xf32, #tpu.memory_space<vmem>>) offsets(%dma_start3A_447 : memref<128xi32, #tpu.memory_space<vmem>>) semaphore(%arg13 : memref<!tpu.dma_semaphore, #tpu.memory_space<semaphore_mem>>)
      } else {
      }
      %dma_wait3A_423 = arith.constant 0 : i32
      %dma_wait3A_424 = tpu.memref_slice %arg7[%add3A_415, %dma_wait3A_423] : memref<32x128xi32, #tpu.memory_space<vmem>> -> memref<1x128xi32, #tpu.memory_space<vmem>>
      %dma_wait3A_425 = tpu.memref_squeeze %dma_wait3A_424 : memref<1x128xi32, #tpu.memory_space<vmem>> -> memref<128xi32, #tpu.memory_space<vmem>>
      %dma_wait3A_426 = arith.constant 0 : i32
      %dma_wait3A_427 = arith.constant 0 : i32
      %dma_wait3A_428 = tpu.memref_slice %arg4[%dma_wait3A_426, %dma_wait3A_427] : memref<60000x256xf32, #tpu.memory_space<hbm>> -> memref<60000x256xf32, #tpu.memory_space<hbm>>
      tpu.wait_indirect_dma semaphore(%arg14 : memref<!tpu.dma_semaphore, #tpu.memory_space<semaphore_mem>>) src(%dma_wait3A_428 : memref<60000x256xf32, #tpu.memory_space<hbm>>) dst(%arg9 : memref<128x256xf32, #tpu.memory_space<vmem>>)
      %mul3A_429 = arith.constant 128 : i32
      %mul3A_430 = arith.muli %add3A_415, %mul3A_429 : i32
      %add3A_431 = arith.addi %multiple_of3A, %mul3A_430 : i32
      %multiple_of3A_432 = tpu.assume_multiple %add3A_431, 128 : i32
      %dma_start3A_433 = arith.constant 0 : i32
      %dma_start3A_434 = tpu.memref_slice %arg6[%multiple_of3A_432, %dma_start3A_433] : memref<131072x512xf32, #tpu.memory_space<hbm>> -> memref<128x256xf32, #tpu.memory_space<hbm>>
      %dma_start3A_435 = arith.constant 0 : i32
      %dma_start3A_436 = tpu.memref_slice %arg6[%multiple_of3A_432, %dma_start3A_435] : memref<131072x512xf32, #tpu.memory_space<hbm>> -> memref<128x256xf32, #tpu.memory_space<hbm>>
      tpu.enqueue_dma source(%arg9 : memref<128x256xf32, #tpu.memory_space<vmem>>) target(%dma_start3A_436 : memref<128x256xf32, #tpu.memory_space<hbm>>) target_semaphore(%arg16 : memref<!tpu.dma_semaphore, #tpu.memory_space<semaphore_mem>>)
    }
    %scan3A_16 = arith.constant 16 : i32
    %dma_wait3A = arith.constant 0 : i32
    %dma_wait3A_17 = tpu.memref_slice %arg6[%multiple_of3A, %dma_wait3A] : memref<131072x512xf32, #tpu.memory_space<hbm>> -> memref<128x256xf32, #tpu.memory_space<hbm>>
    %dma_wait3A_18 = arith.constant 0 : i32
    %dma_wait3A_19 = tpu.memref_slice %arg6[%multiple_of3A, %dma_wait3A_18] : memref<131072x512xf32, #tpu.memory_space<hbm>> -> memref<128x256xf32, #tpu.memory_space<hbm>>
    tpu.wait_dma2 semaphore(%arg16 : memref<!tpu.dma_semaphore, #tpu.memory_space<semaphore_mem>>) src(%arg9 : memref<128x256xf32, #tpu.memory_space<vmem>>) dst(%dma_wait3A_19 : memref<128x256xf32, #tpu.memory_space<hbm>>)
    %mul3A_20 = arith.constant 2 : i32
    %mul3A_21 = arith.muli %mul3A_20, %add3A : i32
    %mul3A_22 = arith.constant 4 : i32
    %mul3A_23 = arith.muli %mul3A_21, %mul3A_22 : i32
    %multiple_of3A_24 = tpu.assume_multiple %mul3A_23, 8 : i32
    "tpu.region"() ({
      %run_scoped3A = tpu.sem_alloc : memref<!tpu.dma_semaphore, #tpu.memory_space<semaphore_mem>>
      %dma_start3A_389 = tpu.memref_slice %arg3[%multiple_of3A_24] : memref<256xi32, #tpu.memory_space<hbm>> -> memref<8xi32, #tpu.memory_space<hbm>>
      %dma_start3A_390 = tpu.memref_slice %arg3[%multiple_of3A_24] : memref<256xi32, #tpu.memory_space<hbm>> -> memref<8xi32, #tpu.memory_space<hbm>>
      tpu.enqueue_dma source(%dma_start3A_390 : memref<8xi32, #tpu.memory_space<hbm>>) target(%arg10 : memref<8xi32, #tpu.memory_space<vmem>>) target_semaphore(%run_scoped3A : memref<!tpu.dma_semaphore, #tpu.memory_space<semaphore_mem>>)
      %dma_wait3A_391 = tpu.memref_slice %arg3[%multiple_of3A_24] : memref<256xi32, #tpu.memory_space<hbm>> -> memref<8xi32, #tpu.memory_space<hbm>>
      %dma_wait3A_392 = tpu.memref_slice %arg3[%multiple_of3A_24] : memref<256xi32, #tpu.memory_space<hbm>> -> memref<8xi32, #tpu.memory_space<hbm>>
      tpu.wait_dma2 semaphore(%run_scoped3A : memref<!tpu.dma_semaphore, #tpu.memory_space<semaphore_mem>>) src(%dma_wait3A_392 : memref<8xi32, #tpu.memory_space<hbm>>) dst(%arg10 : memref<8xi32, #tpu.memory_space<vmem>>)
      tpu.yield
    }) : () -> ()
    %dma_start3A_25 = arith.constant 0 : i32
    %dma_start3A_26 = arith.constant 0 : i32
    %dma_start3A_27 = tpu.memref_slice %arg5[%dma_start3A_25, %dma_start3A_26] : memref<1024x128xf32, #tpu.memory_space<hbm>> -> memref<1024x128xf32, #tpu.memory_space<hbm>>
    tpu.enqueue_indirect_dma source(%dma_start3A_27 : memref<1024x128xf32, #tpu.memory_space<hbm>>) target(%arg11 : memref<8x128xf32, #tpu.memory_space<vmem>>) offsets(%arg10 : memref<8xi32, #tpu.memory_space<vmem>>) semaphore(%arg13 : memref<!tpu.dma_semaphore, #tpu.memory_space<semaphore_mem>>)
    %dma_wait3A_28 = arith.constant 0 : i32
    %dma_wait3A_29 = arith.constant 0 : i32
    %dma_wait3A_30 = tpu.memref_slice %arg5[%dma_wait3A_28, %dma_wait3A_29] : memref<1024x128xf32, #tpu.memory_space<hbm>> -> memref<1024x128xf32, #tpu.memory_space<hbm>>
    tpu.wait_indirect_dma semaphore(%arg13 : memref<!tpu.dma_semaphore, #tpu.memory_space<semaphore_mem>>) src(%dma_wait3A_30 : memref<1024x128xf32, #tpu.memory_space<hbm>>) dst(%arg11 : memref<8x128xf32, #tpu.memory_space<vmem>>)
    %add3A_31 = arith.constant 0 : i32
    %add3A_32 = arith.addi %mul3A_21, %add3A_31 : i32
    %mul3A_33 = arith.constant 2048 : i32
    %mul3A_34 = arith.muli %add3A_32, %mul3A_33 : i32
    %get3A = arith.constant 0 : i32
    %get3A_35 = arith.index_cast %get3A : i32 to index
    %get3A_36 = arith.constant 0 : index
    %get3A_37 = tpu.vector_load %arg11[%get3A_35, %get3A_36] {strides = array<i32>} : memref<8x128xf32, #tpu.memory_space<vmem>>, vector<1x16xf32>,
    %get3A_38 = vector.shape_cast %get3A_37 : vector<1x16xf32> to vector<16xf32>
    %swap3A = arith.constant 0 : i32
    %swap3A_39 = arith.index_cast %swap3A : i32 to index
    %swap3A_40 = arith.constant 0 : index
    %swap3A_41 = tpu.vector_load %arg12[%swap3A_39, %swap3A_40] {strides = array<i32>} : memref<1x256xf32, #tpu.memory_space<vmem>>, vector<1x16xf32>,
    %swap3A_42 = vector.shape_cast %swap3A_41 : vector<1x16xf32> to vector<16xf32>
    %swap3A_43 = vector.shape_cast %get3A_38 : vector<16xf32> to vector<1x16xf32>
    tpu.vector_store %arg12[%swap3A_39, %swap3A_40], %swap3A_43 {strides = array<i32>} : memref<1x256xf32, #tpu.memory_space<vmem>>, vector<1x16xf32>,
    %get3A_44 = arith.constant 0 : i32
    %get3A_45 = arith.index_cast %get3A_44 : i32 to index
    %get3A_46 = arith.constant 16 : index
    %get3A_47 = tpu.vector_load %arg11[%get3A_45, %get3A_46] {strides = array<i32>} : memref<8x128xf32, #tpu.memory_space<vmem>>, vector<1x16xf32>,
    %get3A_48 = vector.shape_cast %get3A_47 : vector<1x16xf32> to vector<16xf32>
    %swap3A_49 = arith.constant 0 : i32
    %swap3A_50 = arith.index_cast %swap3A_49 : i32 to index
    %swap3A_51 = arith.constant 16 : index
    %swap3A_52 = tpu.vector_load %arg12[%swap3A_50, %swap3A_51] {strides = array<i32>} : memref<1x256xf32, #tpu.memory_space<vmem>>, vector<1x16xf32>,
    %swap3A_53 = vector.shape_cast %swap3A_52 : vector<1x16xf32> to vector<16xf32>
    %swap3A_54 = vector.shape_cast %get3A_48 : vector<16xf32> to vector<1x16xf32>
    tpu.vector_store %arg12[%swap3A_50, %swap3A_51], %swap3A_54 {strides = array<i32>} : memref<1x256xf32, #tpu.memory_space<vmem>>, vector<1x16xf32>,
    %get3A_55 = arith.constant 0 : i32
    %get3A_56 = arith.index_cast %get3A_55 : i32 to index
    %get3A_57 = arith.constant 32 : index
    %get3A_58 = tpu.vector_load %arg11[%get3A_56, %get3A_57] {strides = array<i32>} : memref<8x128xf32, #tpu.memory_space<vmem>>, vector<1x16xf32>,
    %get3A_59 = vector.shape_cast %get3A_58 : vector<1x16xf32> to vector<16xf32>
    %swap3A_60 = arith.constant 0 : i32
    %swap3A_61 = arith.index_cast %swap3A_60 : i32 to index
    %swap3A_62 = arith.constant 32 : index
    %swap3A_63 = tpu.vector_load %arg12[%swap3A_61, %swap3A_62] {strides = array<i32>} : memref<1x256xf32, #tpu.memory_space<vmem>>, vector<1x16xf32>,
    %swap3A_64 = vector.shape_cast %swap3A_63 : vector<1x16xf32> to vector<16xf32>
    %swap3A_65 = vector.shape_cast %get3A_59 : vector<16xf32> to vector<1x16xf32>
    tpu.vector_store %arg12[%swap3A_61, %swap3A_62], %swap3A_65 {strides = array<i32>} : memref<1x256xf32, #tpu.memory_space<vmem>>, vector<1x16xf32>,
    %get3A_66 = arith.constant 0 : i32
    %get3A_67 = arith.index_cast %get3A_66 : i32 to index
    %get3A_68 = arith.constant 48 : index
    %get3A_69 = tpu.vector_load %arg11[%get3A_67, %get3A_68] {strides = array<i32>} : memref<8x128xf32, #tpu.memory_space<vmem>>, vector<1x16xf32>,
    %get3A_70 = vector.shape_cast %get3A_69 : vector<1x16xf32> to vector<16xf32>
    %swap3A_71 = arith.constant 0 : i32
    %swap3A_72 = arith.index_cast %swap3A_71 : i32 to index
    %swap3A_73 = arith.constant 48 : index
    %swap3A_74 = tpu.vector_load %arg12[%swap3A_72, %swap3A_73] {strides = array<i32>} : memref<1x256xf32, #tpu.memory_space<vmem>>, vector<1x16xf32>,
    %swap3A_75 = vector.shape_cast %swap3A_74 : vector<1x16xf32> to vector<16xf32>
    %swap3A_76 = vector.shape_cast %get3A_70 : vector<16xf32> to vector<1x16xf32>
    tpu.vector_store %arg12[%swap3A_72, %swap3A_73], %swap3A_76 {strides = array<i32>} : memref<1x256xf32, #tpu.memory_space<vmem>>, vector<1x16xf32>,
    %get3A_77 = arith.constant 1 : i32
    %get3A_78 = arith.index_cast %get3A_77 : i32 to index
    %get3A_79 = arith.constant 0 : index
    %get3A_80 = tpu.vector_load %arg11[%get3A_78, %get3A_79] {strides = array<i32>} : memref<8x128xf32, #tpu.memory_space<vmem>>, vector<1x16xf32>,
    %get3A_81 = vector.shape_cast %get3A_80 : vector<1x16xf32> to vector<16xf32>
    %swap3A_82 = arith.constant 0 : i32
    %swap3A_83 = arith.index_cast %swap3A_82 : i32 to index
    %swap3A_84 = arith.constant 64 : index
    %swap3A_85 = tpu.vector_load %arg12[%swap3A_83, %swap3A_84] {strides = array<i32>} : memref<1x256xf32, #tpu.memory_space<vmem>>, vector<1x16xf32>,
    %swap3A_86 = vector.shape_cast %swap3A_85 : vector<1x16xf32> to vector<16xf32>
    %swap3A_87 = vector.shape_cast %get3A_81 : vector<16xf32> to vector<1x16xf32>
    tpu.vector_store %arg12[%swap3A_83, %swap3A_84], %swap3A_87 {strides = array<i32>} : memref<1x256xf32, #tpu.memory_space<vmem>>, vector<1x16xf32>,
    %get3A_88 = arith.constant 1 : i32
    %get3A_89 = arith.index_cast %get3A_88 : i32 to index
    %get3A_90 = arith.constant 16 : index
    %get3A_91 = tpu.vector_load %arg11[%get3A_89, %get3A_90] {strides = array<i32>} : memref<8x128xf32, #tpu.memory_space<vmem>>, vector<1x16xf32>,
    %get3A_92 = vector.shape_cast %get3A_91 : vector<1x16xf32> to vector<16xf32>
    %swap3A_93 = arith.constant 0 : i32
    %swap3A_94 = arith.index_cast %swap3A_93 : i32 to index
    %swap3A_95 = arith.constant 80 : index
    %swap3A_96 = tpu.vector_load %arg12[%swap3A_94, %swap3A_95] {strides = array<i32>} : memref<1x256xf32, #tpu.memory_space<vmem>>, vector<1x16xf32>,
    %swap3A_97 = vector.shape_cast %swap3A_96 : vector<1x16xf32> to vector<16xf32>
    %swap3A_98 = vector.shape_cast %get3A_92 : vector<16xf32> to vector<1x16xf32>
    tpu.vector_store %arg12[%swap3A_94, %swap3A_95], %swap3A_98 {strides = array<i32>} : memref<1x256xf32, #tpu.memory_space<vmem>>, vector<1x16xf32>,
    %get3A_99 = arith.constant 1 : i32
    %get3A_100 = arith.index_cast %get3A_99 : i32 to index
    %get3A_101 = arith.constant 32 : index
    %get3A_102 = tpu.vector_load %arg11[%get3A_100, %get3A_101] {strides = array<i32>} : memref<8x128xf32, #tpu.memory_space<vmem>>, vector<1x16xf32>,
    %get3A_103 = vector.shape_cast %get3A_102 : vector<1x16xf32> to vector<16xf32>
    %swap3A_104 = arith.constant 0 : i32
    %swap3A_105 = arith.index_cast %swap3A_104 : i32 to index
    %swap3A_106 = arith.constant 96 : index
    %swap3A_107 = tpu.vector_load %arg12[%swap3A_105, %swap3A_106] {strides = array<i32>} : memref<1x256xf32, #tpu.memory_space<vmem>>, vector<1x16xf32>,
    %swap3A_108 = vector.shape_cast %swap3A_107 : vector<1x16xf32> to vector<16xf32>
    %swap3A_109 = vector.shape_cast %get3A_103 : vector<16xf32> to vector<1x16xf32>
    tpu.vector_store %arg12[%swap3A_105, %swap3A_106], %swap3A_109 {strides = array<i32>} : memref<1x256xf32, #tpu.memory_space<vmem>>, vector<1x16xf32>,
    %get3A_110 = arith.constant 1 : i32
    %get3A_111 = arith.index_cast %get3A_110 : i32 to index
    %get3A_112 = arith.constant 48 : index
    %get3A_113 = tpu.vector_load %arg11[%get3A_111, %get3A_112] {strides = array<i32>} : memref<8x128xf32, #tpu.memory_space<vmem>>, vector<1x16xf32>,
    %get3A_114 = vector.shape_cast %get3A_113 : vector<1x16xf32> to vector<16xf32>
    %swap3A_115 = arith.constant 0 : i32
    %swap3A_116 = arith.index_cast %swap3A_115 : i32 to index
    %swap3A_117 = arith.constant 112 : index
    %swap3A_118 = tpu.vector_load %arg12[%swap3A_116, %swap3A_117] {strides = array<i32>} : memref<1x256xf32, #tpu.memory_space<vmem>>, vector<1x16xf32>,
    %swap3A_119 = vector.shape_cast %swap3A_118 : vector<1x16xf32> to vector<16xf32>
    %swap3A_120 = vector.shape_cast %get3A_114 : vector<16xf32> to vector<1x16xf32>
    tpu.vector_store %arg12[%swap3A_116, %swap3A_117], %swap3A_120 {strides = array<i32>} : memref<1x256xf32, #tpu.memory_space<vmem>>, vector<1x16xf32>,
    %get3A_121 = arith.constant 2 : i32
    %get3A_122 = arith.index_cast %get3A_121 : i32 to index
    %get3A_123 = arith.constant 0 : index
    %get3A_124 = tpu.vector_load %arg11[%get3A_122, %get3A_123] {strides = array<i32>} : memref<8x128xf32, #tpu.memory_space<vmem>>, vector<1x16xf32>,
    %get3A_125 = vector.shape_cast %get3A_124 : vector<1x16xf32> to vector<16xf32>
    %swap3A_126 = arith.constant 0 : i32
    %swap3A_127 = arith.index_cast %swap3A_126 : i32 to index
    %swap3A_128 = arith.constant 128 : index
    %swap3A_129 = tpu.vector_load %arg12[%swap3A_127, %swap3A_128] {strides = array<i32>} : memref<1x256xf32, #tpu.memory_space<vmem>>, vector<1x16xf32>,
    %swap3A_130 = vector.shape_cast %swap3A_129 : vector<1x16xf32> to vector<16xf32>
    %swap3A_131 = vector.shape_cast %get3A_125 : vector<16xf32> to vector<1x16xf32>
    tpu.vector_store %arg12[%swap3A_127, %swap3A_128], %swap3A_131 {strides = array<i32>} : memref<1x256xf32, #tpu.memory_space<vmem>>, vector<1x16xf32>,
    %get3A_132 = arith.constant 2 : i32
    %get3A_133 = arith.index_cast %get3A_132 : i32 to index
    %get3A_134 = arith.constant 16 : index
    %get3A_135 = tpu.vector_load %arg11[%get3A_133, %get3A_134] {strides = array<i32>} : memref<8x128xf32, #tpu.memory_space<vmem>>, vector<1x16xf32>,
    %get3A_136 = vector.shape_cast %get3A_135 : vector<1x16xf32> to vector<16xf32>
    %swap3A_137 = arith.constant 0 : i32
    %swap3A_138 = arith.index_cast %swap3A_137 : i32 to index
    %swap3A_139 = arith.constant 144 : index
    %swap3A_140 = tpu.vector_load %arg12[%swap3A_138, %swap3A_139] {strides = array<i32>} : memref<1x256xf32, #tpu.memory_space<vmem>>, vector<1x16xf32>,
    %swap3A_141 = vector.shape_cast %swap3A_140 : vector<1x16xf32> to vector<16xf32>
    %swap3A_142 = vector.shape_cast %get3A_136 : vector<16xf32> to vector<1x16xf32>
    tpu.vector_store %arg12[%swap3A_138, %swap3A_139], %swap3A_142 {strides = array<i32>} : memref<1x256xf32, #tpu.memory_space<vmem>>, vector<1x16xf32>,
    %get3A_143 = arith.constant 2 : i32
    %get3A_144 = arith.index_cast %get3A_143 : i32 to index
    %get3A_145 = arith.constant 32 : index
    %get3A_146 = tpu.vector_load %arg11[%get3A_144, %get3A_145] {strides = array<i32>} : memref<8x128xf32, #tpu.memory_space<vmem>>, vector<1x16xf32>,
    %get3A_147 = vector.shape_cast %get3A_146 : vector<1x16xf32> to vector<16xf32>
    %swap3A_148 = arith.constant 0 : i32
    %swap3A_149 = arith.index_cast %swap3A_148 : i32 to index
    %swap3A_150 = arith.constant 160 : index
    %swap3A_151 = tpu.vector_load %arg12[%swap3A_149, %swap3A_150] {strides = array<i32>} : memref<1x256xf32, #tpu.memory_space<vmem>>, vector<1x16xf32>,
    %swap3A_152 = vector.shape_cast %swap3A_151 : vector<1x16xf32> to vector<16xf32>
    %swap3A_153 = vector.shape_cast %get3A_147 : vector<16xf32> to vector<1x16xf32>
    tpu.vector_store %arg12[%swap3A_149, %swap3A_150], %swap3A_153 {strides = array<i32>} : memref<1x256xf32, #tpu.memory_space<vmem>>, vector<1x16xf32>,
    %get3A_154 = arith.constant 2 : i32
    %get3A_155 = arith.index_cast %get3A_154 : i32 to index
    %get3A_156 = arith.constant 48 : index
    %get3A_157 = tpu.vector_load %arg11[%get3A_155, %get3A_156] {strides = array<i32>} : memref<8x128xf32, #tpu.memory_space<vmem>>, vector<1x16xf32>,
    %get3A_158 = vector.shape_cast %get3A_157 : vector<1x16xf32> to vector<16xf32>
    %swap3A_159 = arith.constant 0 : i32
    %swap3A_160 = arith.index_cast %swap3A_159 : i32 to index
    %swap3A_161 = arith.constant 176 : index
    %swap3A_162 = tpu.vector_load %arg12[%swap3A_160, %swap3A_161] {strides = array<i32>} : memref<1x256xf32, #tpu.memory_space<vmem>>, vector<1x16xf32>,
    %swap3A_163 = vector.shape_cast %swap3A_162 : vector<1x16xf32> to vector<16xf32>
    %swap3A_164 = vector.shape_cast %get3A_158 : vector<16xf32> to vector<1x16xf32>
    tpu.vector_store %arg12[%swap3A_160, %swap3A_161], %swap3A_164 {strides = array<i32>} : memref<1x256xf32, #tpu.memory_space<vmem>>, vector<1x16xf32>,
    %get3A_165 = arith.constant 3 : i32
    %get3A_166 = arith.index_cast %get3A_165 : i32 to index
    %get3A_167 = arith.constant 0 : index
    %get3A_168 = tpu.vector_load %arg11[%get3A_166, %get3A_167] {strides = array<i32>} : memref<8x128xf32, #tpu.memory_space<vmem>>, vector<1x16xf32>,
    %get3A_169 = vector.shape_cast %get3A_168 : vector<1x16xf32> to vector<16xf32>
    %swap3A_170 = arith.constant 0 : i32
    %swap3A_171 = arith.index_cast %swap3A_170 : i32 to index
    %swap3A_172 = arith.constant 192 : index
    %swap3A_173 = tpu.vector_load %arg12[%swap3A_171, %swap3A_172] {strides = array<i32>} : memref<1x256xf32, #tpu.memory_space<vmem>>, vector<1x16xf32>,
    %swap3A_174 = vector.shape_cast %swap3A_173 : vector<1x16xf32> to vector<16xf32>
    %swap3A_175 = vector.shape_cast %get3A_169 : vector<16xf32> to vector<1x16xf32>
    tpu.vector_store %arg12[%swap3A_171, %swap3A_172], %swap3A_175 {strides = array<i32>} : memref<1x256xf32, #tpu.memory_space<vmem>>, vector<1x16xf32>,
    %get3A_176 = arith.constant 3 : i32
    %get3A_177 = arith.index_cast %get3A_176 : i32 to index
    %get3A_178 = arith.constant 16 : index
    %get3A_179 = tpu.vector_load %arg11[%get3A_177, %get3A_178] {strides = array<i32>} : memref<8x128xf32, #tpu.memory_space<vmem>>, vector<1x16xf32>,
    %get3A_180 = vector.shape_cast %get3A_179 : vector<1x16xf32> to vector<16xf32>
    %swap3A_181 = arith.constant 0 : i32
    %swap3A_182 = arith.index_cast %swap3A_181 : i32 to index
    %swap3A_183 = arith.constant 208 : index
    %swap3A_184 = tpu.vector_load %arg12[%swap3A_182, %swap3A_183] {strides = array<i32>} : memref<1x256xf32, #tpu.memory_space<vmem>>, vector<1x16xf32>,
    %swap3A_185 = vector.shape_cast %swap3A_184 : vector<1x16xf32> to vector<16xf32>
    %swap3A_186 = vector.shape_cast %get3A_180 : vector<16xf32> to vector<1x16xf32>
    tpu.vector_store %arg12[%swap3A_182, %swap3A_183], %swap3A_186 {strides = array<i32>} : memref<1x256xf32, #tpu.memory_space<vmem>>, vector<1x16xf32>,
    %get3A_187 = arith.constant 3 : i32
    %get3A_188 = arith.index_cast %get3A_187 : i32 to index
    %get3A_189 = arith.constant 32 : index
    %get3A_190 = tpu.vector_load %arg11[%get3A_188, %get3A_189] {strides = array<i32>} : memref<8x128xf32, #tpu.memory_space<vmem>>, vector<1x16xf32>,
    %get3A_191 = vector.shape_cast %get3A_190 : vector<1x16xf32> to vector<16xf32>
    %swap3A_192 = arith.constant 0 : i32
    %swap3A_193 = arith.index_cast %swap3A_192 : i32 to index
    %swap3A_194 = arith.constant 224 : index
    %swap3A_195 = tpu.vector_load %arg12[%swap3A_193, %swap3A_194] {strides = array<i32>} : memref<1x256xf32, #tpu.memory_space<vmem>>, vector<1x16xf32>,
    %swap3A_196 = vector.shape_cast %swap3A_195 : vector<1x16xf32> to vector<16xf32>
    %swap3A_197 = vector.shape_cast %get3A_191 : vector<16xf32> to vector<1x16xf32>
    tpu.vector_store %arg12[%swap3A_193, %swap3A_194], %swap3A_197 {strides = array<i32>} : memref<1x256xf32, #tpu.memory_space<vmem>>, vector<1x16xf32>,
    %get3A_198 = arith.constant 3 : i32
    %get3A_199 = arith.index_cast %get3A_198 : i32 to index
    %get3A_200 = arith.constant 48 : index
    %get3A_201 = tpu.vector_load %arg11[%get3A_199, %get3A_200] {strides = array<i32>} : memref<8x128xf32, #tpu.memory_space<vmem>>, vector<1x16xf32>,
    %get3A_202 = vector.shape_cast %get3A_201 : vector<1x16xf32> to vector<16xf32>
    %swap3A_203 = arith.constant 0 : i32
    %swap3A_204 = arith.index_cast %swap3A_203 : i32 to index
    %swap3A_205 = arith.constant 240 : index
    %swap3A_206 = tpu.vector_load %arg12[%swap3A_204, %swap3A_205] {strides = array<i32>} : memref<1x256xf32, #tpu.memory_space<vmem>>, vector<1x16xf32>,
    %swap3A_207 = vector.shape_cast %swap3A_206 : vector<1x16xf32> to vector<16xf32>
    %swap3A_208 = vector.shape_cast %get3A_202 : vector<16xf32> to vector<1x16xf32>
    tpu.vector_store %arg12[%swap3A_204, %swap3A_205], %swap3A_208 {strides = array<i32>} : memref<1x256xf32, #tpu.memory_space<vmem>>, vector<1x16xf32>,
    "tpu.region"() ({
      %run_scoped3A = tpu.sem_alloc : memref<!tpu.dma_semaphore, #tpu.memory_space<semaphore_mem>>
      %dma_start3A_389 = arith.constant 0 : i32
      %dma_start3A_390 = tpu.memref_slice %arg6[%mul3A_34, %dma_start3A_389] : memref<131072x512xf32, #tpu.memory_space<hbm>> -> memref<1x256xf32, #tpu.memory_space<hbm>>
      %dma_start3A_391 = arith.constant 0 : i32
      %dma_start3A_392 = tpu.memref_slice %arg6[%mul3A_34, %dma_start3A_391] : memref<131072x512xf32, #tpu.memory_space<hbm>> -> memref<1x256xf32, #tpu.memory_space<hbm>>
      tpu.enqueue_dma source(%arg12 : memref<1x256xf32, #tpu.memory_space<vmem>>) target(%dma_start3A_392 : memref<1x256xf32, #tpu.memory_space<hbm>>) target_semaphore(%run_scoped3A : memref<!tpu.dma_semaphore, #tpu.memory_space<semaphore_mem>>)
      %dma_wait3A_393 = arith.constant 0 : i32
      %dma_wait3A_394 = tpu.memref_slice %arg6[%mul3A_34, %dma_wait3A_393] : memref<131072x512xf32, #tpu.memory_space<hbm>> -> memref<1x256xf32, #tpu.memory_space<hbm>>
      %dma_wait3A_395 = arith.constant 0 : i32
      %dma_wait3A_396 = tpu.memref_slice %arg6[%mul3A_34, %dma_wait3A_395] : memref<131072x512xf32, #tpu.memory_space<hbm>> -> memref<1x256xf32, #tpu.memory_space<hbm>>
      tpu.wait_dma2 semaphore(%run_scoped3A : memref<!tpu.dma_semaphore, #tpu.memory_space<semaphore_mem>>) src(%arg12 : memref<1x256xf32, #tpu.memory_space<vmem>>) dst(%dma_wait3A_396 : memref<1x256xf32, #tpu.memory_space<hbm>>)
      tpu.yield
    }) : () -> ()
    %add3A_209 = arith.constant 1 : i32
    %add3A_210 = arith.addi %mul3A_21, %add3A_209 : i32
    %mul3A_211 = arith.constant 2048 : i32
    %mul3A_212 = arith.muli %add3A_210, %mul3A_211 : i32
    %get3A_213 = arith.constant 4 : i32
    %get3A_214 = arith.index_cast %get3A_213 : i32 to index
    %get3A_215 = arith.constant 0 : index
    %get3A_216 = tpu.vector_load %arg11[%get3A_214, %get3A_215] {strides = array<i32>} : memref<8x128xf32, #tpu.memory_space<vmem>>, vector<1x16xf32>,
    %get3A_217 = vector.shape_cast %get3A_216 : vector<1x16xf32> to vector<16xf32>
    %swap3A_218 = arith.constant 0 : i32
    %swap3A_219 = arith.index_cast %swap3A_218 : i32 to index
    %swap3A_220 = arith.constant 0 : index
    %swap3A_221 = tpu.vector_load %arg12[%swap3A_219, %swap3A_220] {strides = array<i32>} : memref<1x256xf32, #tpu.memory_space<vmem>>, vector<1x16xf32>,
    %swap3A_222 = vector.shape_cast %swap3A_221 : vector<1x16xf32> to vector<16xf32>
    %swap3A_223 = vector.shape_cast %get3A_217 : vector<16xf32> to vector<1x16xf32>
    tpu.vector_store %arg12[%swap3A_219, %swap3A_220], %swap3A_223 {strides = array<i32>} : memref<1x256xf32, #tpu.memory_space<vmem>>, vector<1x16xf32>,
    %get3A_224 = arith.constant 4 : i32
    %get3A_225 = arith.index_cast %get3A_224 : i32 to index
    %get3A_226 = arith.constant 16 : index
    %get3A_227 = tpu.vector_load %arg11[%get3A_225, %get3A_226] {strides = array<i32>} : memref<8x128xf32, #tpu.memory_space<vmem>>, vector<1x16xf32>,
    %get3A_228 = vector.shape_cast %get3A_227 : vector<1x16xf32> to vector<16xf32>
    %swap3A_229 = arith.constant 0 : i32
    %swap3A_230 = arith.index_cast %swap3A_229 : i32 to index
    %swap3A_231 = arith.constant 16 : index
    %swap3A_232 = tpu.vector_load %arg12[%swap3A_230, %swap3A_231] {strides = array<i32>} : memref<1x256xf32, #tpu.memory_space<vmem>>, vector<1x16xf32>,
    %swap3A_233 = vector.shape_cast %swap3A_232 : vector<1x16xf32> to vector<16xf32>
    %swap3A_234 = vector.shape_cast %get3A_228 : vector<16xf32> to vector<1x16xf32>
    tpu.vector_store %arg12[%swap3A_230, %swap3A_231], %swap3A_234 {strides = array<i32>} : memref<1x256xf32, #tpu.memory_space<vmem>>, vector<1x16xf32>,
    %get3A_235 = arith.constant 4 : i32
    %get3A_236 = arith.index_cast %get3A_235 : i32 to index
    %get3A_237 = arith.constant 32 : index
    %get3A_238 = tpu.vector_load %arg11[%get3A_236, %get3A_237] {strides = array<i32>} : memref<8x128xf32, #tpu.memory_space<vmem>>, vector<1x16xf32>,
    %get3A_239 = vector.shape_cast %get3A_238 : vector<1x16xf32> to vector<16xf32>
    %swap3A_240 = arith.constant 0 : i32
    %swap3A_241 = arith.index_cast %swap3A_240 : i32 to index
    %swap3A_242 = arith.constant 32 : index
    %swap3A_243 = tpu.vector_load %arg12[%swap3A_241, %swap3A_242] {strides = array<i32>} : memref<1x256xf32, #tpu.memory_space<vmem>>, vector<1x16xf32>,
    %swap3A_244 = vector.shape_cast %swap3A_243 : vector<1x16xf32> to vector<16xf32>
    %swap3A_245 = vector.shape_cast %get3A_239 : vector<16xf32> to vector<1x16xf32>
    tpu.vector_store %arg12[%swap3A_241, %swap3A_242], %swap3A_245 {strides = array<i32>} : memref<1x256xf32, #tpu.memory_space<vmem>>, vector<1x16xf32>,
    %get3A_246 = arith.constant 4 : i32
    %get3A_247 = arith.index_cast %get3A_246 : i32 to index
    %get3A_248 = arith.constant 48 : index
    %get3A_249 = tpu.vector_load %arg11[%get3A_247, %get3A_248] {strides = array<i32>} : memref<8x128xf32, #tpu.memory_space<vmem>>, vector<1x16xf32>,
    %get3A_250 = vector.shape_cast %get3A_249 : vector<1x16xf32> to vector<16xf32>
    %swap3A_251 = arith.constant 0 : i32
    %swap3A_252 = arith.index_cast %swap3A_251 : i32 to index
    %swap3A_253 = arith.constant 48 : index
    %swap3A_254 = tpu.vector_load %arg12[%swap3A_252, %swap3A_253] {strides = array<i32>} : memref<1x256xf32, #tpu.memory_space<vmem>>, vector<1x16xf32>,
    %swap3A_255 = vector.shape_cast %swap3A_254 : vector<1x16xf32> to vector<16xf32>
    %swap3A_256 = vector.shape_cast %get3A_250 : vector<16xf32> to vector<1x16xf32>
    tpu.vector_store %arg12[%swap3A_252, %swap3A_253], %swap3A_256 {strides = array<i32>} : memref<1x256xf32, #tpu.memory_space<vmem>>, vector<1x16xf32>,
    %get3A_257 = arith.constant 5 : i32
    %get3A_258 = arith.index_cast %get3A_257 : i32 to index
    %get3A_259 = arith.constant 0 : index
    %get3A_260 = tpu.vector_load %arg11[%get3A_258, %get3A_259] {strides = array<i32>} : memref<8x128xf32, #tpu.memory_space<vmem>>, vector<1x16xf32>,
    %get3A_261 = vector.shape_cast %get3A_260 : vector<1x16xf32> to vector<16xf32>
    %swap3A_262 = arith.constant 0 : i32
    %swap3A_263 = arith.index_cast %swap3A_262 : i32 to index
    %swap3A_264 = arith.constant 64 : index
    %swap3A_265 = tpu.vector_load %arg12[%swap3A_263, %swap3A_264] {strides = array<i32>} : memref<1x256xf32, #tpu.memory_space<vmem>>, vector<1x16xf32>,
    %swap3A_266 = vector.shape_cast %swap3A_265 : vector<1x16xf32> to vector<16xf32>
    %swap3A_267 = vector.shape_cast %get3A_261 : vector<16xf32> to vector<1x16xf32>
    tpu.vector_store %arg12[%swap3A_263, %swap3A_264], %swap3A_267 {strides = array<i32>} : memref<1x256xf32, #tpu.memory_space<vmem>>, vector<1x16xf32>,
    %get3A_268 = arith.constant 5 : i32
    %get3A_269 = arith.index_cast %get3A_268 : i32 to index
    %get3A_270 = arith.constant 16 : index
    %get3A_271 = tpu.vector_load %arg11[%get3A_269, %get3A_270] {strides = array<i32>} : memref<8x128xf32, #tpu.memory_space<vmem>>, vector<1x16xf32>,
    %get3A_272 = vector.shape_cast %get3A_271 : vector<1x16xf32> to vector<16xf32>
    %swap3A_273 = arith.constant 0 : i32
    %swap3A_274 = arith.index_cast %swap3A_273 : i32 to index
    %swap3A_275 = arith.constant 80 : index
    %swap3A_276 = tpu.vector_load %arg12[%swap3A_274, %swap3A_275] {strides = array<i32>} : memref<1x256xf32, #tpu.memory_space<vmem>>, vector<1x16xf32>,
    %swap3A_277 = vector.shape_cast %swap3A_276 : vector<1x16xf32> to vector<16xf32>
    %swap3A_278 = vector.shape_cast %get3A_272 : vector<16xf32> to vector<1x16xf32>
    tpu.vector_store %arg12[%swap3A_274, %swap3A_275], %swap3A_278 {strides = array<i32>} : memref<1x256xf32, #tpu.memory_space<vmem>>, vector<1x16xf32>,
    %get3A_279 = arith.constant 5 : i32
    %get3A_280 = arith.index_cast %get3A_279 : i32 to index
    %get3A_281 = arith.constant 32 : index
    %get3A_282 = tpu.vector_load %arg11[%get3A_280, %get3A_281] {strides = array<i32>} : memref<8x128xf32, #tpu.memory_space<vmem>>, vector<1x16xf32>,
    %get3A_283 = vector.shape_cast %get3A_282 : vector<1x16xf32> to vector<16xf32>
    %swap3A_284 = arith.constant 0 : i32
    %swap3A_285 = arith.index_cast %swap3A_284 : i32 to index
    %swap3A_286 = arith.constant 96 : index
    %swap3A_287 = tpu.vector_load %arg12[%swap3A_285, %swap3A_286] {strides = array<i32>} : memref<1x256xf32, #tpu.memory_space<vmem>>, vector<1x16xf32>,
    %swap3A_288 = vector.shape_cast %swap3A_287 : vector<1x16xf32> to vector<16xf32>
    %swap3A_289 = vector.shape_cast %get3A_283 : vector<16xf32> to vector<1x16xf32>
    tpu.vector_store %arg12[%swap3A_285, %swap3A_286], %swap3A_289 {strides = array<i32>} : memref<1x256xf32, #tpu.memory_space<vmem>>, vector<1x16xf32>,
    %get3A_290 = arith.constant 5 : i32
    %get3A_291 = arith.index_cast %get3A_290 : i32 to index
    %get3A_292 = arith.constant 48 : index
    %get3A_293 = tpu.vector_load %arg11[%get3A_291, %get3A_292] {strides = array<i32>} : memref<8x128xf32, #tpu.memory_space<vmem>>, vector<1x16xf32>,
    %get3A_294 = vector.shape_cast %get3A_293 : vector<1x16xf32> to vector<16xf32>
    %swap3A_295 = arith.constant 0 : i32
    %swap3A_296 = arith.index_cast %swap3A_295 : i32 to index
    %swap3A_297 = arith.constant 112 : index
    %swap3A_298 = tpu.vector_load %arg12[%swap3A_296, %swap3A_297] {strides = array<i32>} : memref<1x256xf32, #tpu.memory_space<vmem>>, vector<1x16xf32>,
    %swap3A_299 = vector.shape_cast %swap3A_298 : vector<1x16xf32> to vector<16xf32>
    %swap3A_300 = vector.shape_cast %get3A_294 : vector<16xf32> to vector<1x16xf32>
    tpu.vector_store %arg12[%swap3A_296, %swap3A_297], %swap3A_300 {strides = array<i32>} : memref<1x256xf32, #tpu.memory_space<vmem>>, vector<1x16xf32>,
    %get3A_301 = arith.constant 6 : i32
    %get3A_302 = arith.index_cast %get3A_301 : i32 to index
    %get3A_303 = arith.constant 0 : index
    %get3A_304 = tpu.vector_load %arg11[%get3A_302, %get3A_303] {strides = array<i32>} : memref<8x128xf32, #tpu.memory_space<vmem>>, vector<1x16xf32>,
    %get3A_305 = vector.shape_cast %get3A_304 : vector<1x16xf32> to vector<16xf32>
    %swap3A_306 = arith.constant 0 : i32
    %swap3A_307 = arith.index_cast %swap3A_306 : i32 to index
    %swap3A_308 = arith.constant 128 : index
    %swap3A_309 = tpu.vector_load %arg12[%swap3A_307, %swap3A_308] {strides = array<i32>} : memref<1x256xf32, #tpu.memory_space<vmem>>, vector<1x16xf32>,
    %swap3A_310 = vector.shape_cast %swap3A_309 : vector<1x16xf32> to vector<16xf32>
    %swap3A_311 = vector.shape_cast %get3A_305 : vector<16xf32> to vector<1x16xf32>
    tpu.vector_store %arg12[%swap3A_307, %swap3A_308], %swap3A_311 {strides = array<i32>} : memref<1x256xf32, #tpu.memory_space<vmem>>, vector<1x16xf32>,
    %get3A_312 = arith.constant 6 : i32
    %get3A_313 = arith.index_cast %get3A_312 : i32 to index
    %get3A_314 = arith.constant 16 : index
    %get3A_315 = tpu.vector_load %arg11[%get3A_313, %get3A_314] {strides = array<i32>} : memref<8x128xf32, #tpu.memory_space<vmem>>, vector<1x16xf32>,
    %get3A_316 = vector.shape_cast %get3A_315 : vector<1x16xf32> to vector<16xf32>
    %swap3A_317 = arith.constant 0 : i32
    %swap3A_318 = arith.index_cast %swap3A_317 : i32 to index
    %swap3A_319 = arith.constant 144 : index
    %swap3A_320 = tpu.vector_load %arg12[%swap3A_318, %swap3A_319] {strides = array<i32>} : memref<1x256xf32, #tpu.memory_space<vmem>>, vector<1x16xf32>,
    %swap3A_321 = vector.shape_cast %swap3A_320 : vector<1x16xf32> to vector<16xf32>
    %swap3A_322 = vector.shape_cast %get3A_316 : vector<16xf32> to vector<1x16xf32>
    tpu.vector_store %arg12[%swap3A_318, %swap3A_319], %swap3A_322 {strides = array<i32>} : memref<1x256xf32, #tpu.memory_space<vmem>>, vector<1x16xf32>,
    %get3A_323 = arith.constant 6 : i32
    %get3A_324 = arith.index_cast %get3A_323 : i32 to index
    %get3A_325 = arith.constant 32 : index
    %get3A_326 = tpu.vector_load %arg11[%get3A_324, %get3A_325] {strides = array<i32>} : memref<8x128xf32, #tpu.memory_space<vmem>>, vector<1x16xf32>,
    %get3A_327 = vector.shape_cast %get3A_326 : vector<1x16xf32> to vector<16xf32>
    %swap3A_328 = arith.constant 0 : i32
    %swap3A_329 = arith.index_cast %swap3A_328 : i32 to index
    %swap3A_330 = arith.constant 160 : index
    %swap3A_331 = tpu.vector_load %arg12[%swap3A_329, %swap3A_330] {strides = array<i32>} : memref<1x256xf32, #tpu.memory_space<vmem>>, vector<1x16xf32>,
    %swap3A_332 = vector.shape_cast %swap3A_331 : vector<1x16xf32> to vector<16xf32>
    %swap3A_333 = vector.shape_cast %get3A_327 : vector<16xf32> to vector<1x16xf32>
    tpu.vector_store %arg12[%swap3A_329, %swap3A_330], %swap3A_333 {strides = array<i32>} : memref<1x256xf32, #tpu.memory_space<vmem>>, vector<1x16xf32>,
    %get3A_334 = arith.constant 6 : i32
    %get3A_335 = arith.index_cast %get3A_334 : i32 to index
    %get3A_336 = arith.constant 48 : index
    %get3A_337 = tpu.vector_load %arg11[%get3A_335, %get3A_336] {strides = array<i32>} : memref<8x128xf32, #tpu.memory_space<vmem>>, vector<1x16xf32>,
    %get3A_338 = vector.shape_cast %get3A_337 : vector<1x16xf32> to vector<16xf32>
    %swap3A_339 = arith.constant 0 : i32
    %swap3A_340 = arith.index_cast %swap3A_339 : i32 to index
    %swap3A_341 = arith.constant 176 : index
    %swap3A_342 = tpu.vector_load %arg12[%swap3A_340, %swap3A_341] {strides = array<i32>} : memref<1x256xf32, #tpu.memory_space<vmem>>, vector<1x16xf32>,
    %swap3A_343 = vector.shape_cast %swap3A_342 : vector<1x16xf32> to vector<16xf32>
    %swap3A_344 = vector.shape_cast %get3A_338 : vector<16xf32> to vector<1x16xf32>
    tpu.vector_store %arg12[%swap3A_340, %swap3A_341], %swap3A_344 {strides = array<i32>} : memref<1x256xf32, #tpu.memory_space<vmem>>, vector<1x16xf32>,
    %get3A_345 = arith.constant 7 : i32
    %get3A_346 = arith.index_cast %get3A_345 : i32 to index
    %get3A_347 = arith.constant 0 : index
    %get3A_348 = tpu.vector_load %arg11[%get3A_346, %get3A_347] {strides = array<i32>} : memref<8x128xf32, #tpu.memory_space<vmem>>, vector<1x16xf32>,
    %get3A_349 = vector.shape_cast %get3A_348 : vector<1x16xf32> to vector<16xf32>
    %swap3A_350 = arith.constant 0 : i32
    %swap3A_351 = arith.index_cast %swap3A_350 : i32 to index
    %swap3A_352 = arith.constant 192 : index
    %swap3A_353 = tpu.vector_load %arg12[%swap3A_351, %swap3A_352] {strides = array<i32>} : memref<1x256xf32, #tpu.memory_space<vmem>>, vector<1x16xf32>,
    %swap3A_354 = vector.shape_cast %swap3A_353 : vector<1x16xf32> to vector<16xf32>
    %swap3A_355 = vector.shape_cast %get3A_349 : vector<16xf32> to vector<1x16xf32>
    tpu.vector_store %arg12[%swap3A_351, %swap3A_352], %swap3A_355 {strides = array<i32>} : memref<1x256xf32, #tpu.memory_space<vmem>>, vector<1x16xf32>,
    %get3A_356 = arith.constant 7 : i32
    %get3A_357 = arith.index_cast %get3A_356 : i32 to index
    %get3A_358 = arith.constant 16 : index
    %get3A_359 = tpu.vector_load %arg11[%get3A_357, %get3A_358] {strides = array<i32>} : memref<8x128xf32, #tpu.memory_space<vmem>>, vector<1x16xf32>,
    %get3A_360 = vector.shape_cast %get3A_359 : vector<1x16xf32> to vector<16xf32>
    %swap3A_361 = arith.constant 0 : i32
    %swap3A_362 = arith.index_cast %swap3A_361 : i32 to index
    %swap3A_363 = arith.constant 208 : index
    %swap3A_364 = tpu.vector_load %arg12[%swap3A_362, %swap3A_363] {strides = array<i32>} : memref<1x256xf32, #tpu.memory_space<vmem>>, vector<1x16xf32>,
    %swap3A_365 = vector.shape_cast %swap3A_364 : vector<1x16xf32> to vector<16xf32>
    %swap3A_366 = vector.shape_cast %get3A_360 : vector<16xf32> to vector<1x16xf32>
    tpu.vector_store %arg12[%swap3A_362, %swap3A_363], %swap3A_366 {strides = array<i32>} : memref<1x256xf32, #tpu.memory_space<vmem>>, vector<1x16xf32>,
    %get3A_367 = arith.constant 7 : i32
    %get3A_368 = arith.index_cast %get3A_367 : i32 to index
    %get3A_369 = arith.constant 32 : index
    %get3A_370 = tpu.vector_load %arg11[%get3A_368, %get3A_369] {strides = array<i32>} : memref<8x128xf32, #tpu.memory_space<vmem>>, vector<1x16xf32>,
    %get3A_371 = vector.shape_cast %get3A_370 : vector<1x16xf32> to vector<16xf32>
    %swap3A_372 = arith.constant 0 : i32
    %swap3A_373 = arith.index_cast %swap3A_372 : i32 to index
    %swap3A_374 = arith.constant 224 : index
    %swap3A_375 = tpu.vector_load %arg12[%swap3A_373, %swap3A_374] {strides = array<i32>} : memref<1x256xf32, #tpu.memory_space<vmem>>, vector<1x16xf32>,
    %swap3A_376 = vector.shape_cast %swap3A_375 : vector<1x16xf32> to vector<16xf32>
    %swap3A_377 = vector.shape_cast %get3A_371 : vector<16xf32> to vector<1x16xf32>
    tpu.vector_store %arg12[%swap3A_373, %swap3A_374], %swap3A_377 {strides = array<i32>} : memref<1x256xf32, #tpu.memory_space<vmem>>, vector<1x16xf32>,
    %get3A_378 = arith.constant 7 : i32
    %get3A_379 = arith.index_cast %get3A_378 : i32 to index
    %get3A_380 = arith.constant 48 : index
    %get3A_381 = tpu.vector_load %arg11[%get3A_379, %get3A_380] {strides = array<i32>} : memref<8x128xf32, #tpu.memory_space<vmem>>, vector<1x16xf32>,
    %get3A_382 = vector.shape_cast %get3A_381 : vector<1x16xf32> to vector<16xf32>
    %swap3A_383 = arith.constant 0 : i32
    %swap3A_384 = arith.index_cast %swap3A_383 : i32 to index
    %swap3A_385 = arith.constant 240 : index
    %swap3A_386 = tpu.vector_load %arg12[%swap3A_384, %swap3A_385] {strides = array<i32>} : memref<1x256xf32, #tpu.memory_space<vmem>>, vector<1x16xf32>,
    %swap3A_387 = vector.shape_cast %swap3A_386 : vector<1x16xf32> to vector<16xf32>
    %swap3A_388 = vector.shape_cast %get3A_382 : vector<16xf32> to vector<1x16xf32>
    tpu.vector_store %arg12[%swap3A_384, %swap3A_385], %swap3A_388 {strides = array<i32>} : memref<1x256xf32, #tpu.memory_space<vmem>>, vector<1x16xf32>,
    "tpu.region"() ({
      %run_scoped3A = tpu.sem_alloc : memref<!tpu.dma_semaphore, #tpu.memory_space<semaphore_mem>>
      %dma_start3A_389 = arith.constant 0 : i32
      %dma_start3A_390 = tpu.memref_slice %arg6[%mul3A_212, %dma_start3A_389] : memref<131072x512xf32, #tpu.memory_space<hbm>> -> memref<1x256xf32, #tpu.memory_space<hbm>>
      %dma_start3A_391 = arith.constant 0 : i32
      %dma_start3A_392 = tpu.memref_slice %arg6[%mul3A_212, %dma_start3A_391] : memref<131072x512xf32, #tpu.memory_space<hbm>> -> memref<1x256xf32, #tpu.memory_space<hbm>>
      tpu.enqueue_dma source(%arg12 : memref<1x256xf32, #tpu.memory_space<vmem>>) target(%dma_start3A_392 : memref<1x256xf32, #tpu.memory_space<hbm>>) target_semaphore(%run_scoped3A : memref<!tpu.dma_semaphore, #tpu.memory_space<semaphore_mem>>)
      %dma_wait3A_393 = arith.constant 0 : i32
      %dma_wait3A_394 = tpu.memref_slice %arg6[%mul3A_212, %dma_wait3A_393] : memref<131072x512xf32, #tpu.memory_space<hbm>> -> memref<1x256xf32, #tpu.memory_space<hbm>>
      %dma_wait3A_395 = arith.constant 0 : i32
      %dma_wait3A_396 = tpu.memref_slice %arg6[%mul3A_212, %dma_wait3A_395] : memref<131072x512xf32, #tpu.memory_space<hbm>> -> memref<1x256xf32, #tpu.memory_space<hbm>>
      tpu.wait_dma2 semaphore(%run_scoped3A : memref<!tpu.dma_semaphore, #tpu.memory_space<semaphore_mem>>) src(%arg12 : memref<1x256xf32, #tpu.memory_space<vmem>>) dst(%dma_wait3A_396 : memref<1x256xf32, #tpu.memory_space<hbm>>)
      tpu.yield
    }) : () -> ()
    return
  }
}

</mosaic_0001>

<sc_bundles>
// kernel: _sc_assemble.3.cloned.1.call-start
scs
__scs_entry_jumppad:
0x0: {  	(pc) =	sbr.rel $0x88, $3  }
0x1: {  	(tag) =	ssettag $0x0;
	lr =	simm.s32 $0x1  }
0x2: {  	[smem:$0x3F9D] =	sst lr;
	_ =	strace $0xD0000000  }
0x3: {  	_ = 	snop  }
0x4: {  	_ = 	snop  }
0x5: {  	_ = 	snop  }
0x6: {  	_ = 	snop  }
0x7: {  	_ = 	snop  }
__scs_overlays_trampoline_lowered:
0x8: {  	[smem:$0x3FAC] =	sst s0  }
0x9: {  	[smem:$0x3FAD] =	sst s1  }
0xa: {  	[smem:$0x3FAE] =	sst s2  }
0xb: {  	[smem:$0x3FAF] =	sst s3  }
0xc: {  	[smem:$0x3FB0] =	sst s4  }
0xd: {  	[smem:$0x3FB1] =	sst s5  }
0xe: {  	[smem:$0x3FB2] =	sst s6  }
0xf: {  	[smem:$0x3FB3] =	sst s7  }
0x10: {  	[smem:$0x3FB4] =	sst s8  }
0x11: {  	[smem:$0x3FB5] =	sst s9;
	s0 =	simm.s32 @!p0 $0x0  }
0x12: {  	s1 =	sld [smem:$0x3F9B];
	s0 =	simm.s32 @p0 $0x1  }
0x13: {  	[smem:$0x3FB6] =	sst s0;
	s0 =	simm.s32 @!p1 $0x0  }
0x14: {  	s2 =	sld [smem:$0x3F9A];
	s0 =	simm.s32 @p1 $0x1  }
0x15: {  	[smem:$0x3FB7] =	sst s0;
	s0 =	simm.s32 @!p2 $0x0  }
0x16: {  	s3 =	sld [smem:$0x3FDB];
	s0 =	simm.s32 @p2 $0x1  }
0x17: {  	s4 =	simm.s32 $0x1BF5;
	[smem:$0x3FB9] =	sst s0  }
0x18: {  	s0 =	sld [smem:$0x3F9C];
	_ =	swait.ge [sflag:s4], $0x0  }
0x19: {  	s7 =	sld [smem:$0x3F9D]  }
0x1a: {  	s8 =	sadd.s32 $0xFFFFE003, lr  }
0x1b: {  	s9 =	sadd.s32 $0xFFFFFEF7, lr;
	s5 =	simm.s32 $0xFFFFFFFF;
	p2 =	slt.u32 s8, $0xFFFFF086  }
0x1c: {  	p1 =	slt.u32 s9, $0xF7A;
	s5 =	simm.s32 @!p2 $0x0  }
0x1d: {  	s5 =	simm.s32 @p1 $0x1;
	p0 =	seq.s32 s7, s2  }
0x1e: {  	s7 =	smul.u32 @!p0 $0xF7A, s2;
	p2 =	seq.s32 @!p0 s5, $0x0  }
0x1f: {  	s9 =	smul.u32 $0xF7A, s1;
	s8 =	simm.s32 @!p0 $0x1BF5;
	p2 =	por !p2, p0  }
0x20: {  	[sflag:s8] =	ssyncset.s32 @!p0 $0xFFFFF086;
	s6 =	sadd.s32 @!p0 s3, s7;
	s7 =	simm.s32 @!p0 $0x108  }
0x21: {  	s3 =	sadd.s32 s3, s9;
	s6 =	sadd.s32 @!p0 $0x88, s6;
	s7 =	simm.s32 @p2 $0x1082  }
0x22: {  	[simem:s7], [sflag:s8] =	dma.local @!p0 [hbm:s6], $0xF7A  }
0x23: {  	s9 =	sor.u32 $0xD0000000, s2;
	s6 =	simm.s32 $0x108;
	_ =	swait.ge @!p0 [sflag:s8], $0x0  }
0x24: {  	s3 =	sadd.s32 $0x88, s3;
	s6 =	simm.s32 @!p1 $0x1082;
	[sflag:s4] =	ssyncset.s32 $0xFFFFF086  }
0x25: {  	[simem:s6], [sflag:s4] =	dma.local [hbm:s3], $0xF7A  }
0x26: {  	[smem:$0x3F9D] =	sst s1;
	(tag) =	ssettag s2;
	_ =	strace s9  }
0x27: {  	s1 =	sld [smem:$0x3FAD]  }
0x28: {  	s2 =	sld [smem:$0x3FAE]  }
0x29: {  	s4 =	sld [smem:$0x3FB0]  }
0x2a: {  	p0 =	seq.s32 s5, $0x0;
	s5 =	sld [smem:$0x3FB1]  }
0x2b: {  	s6 =	sld [smem:$0x3FB2]  }
0x2c: {  	s7 =	sld [smem:$0x3FB3]  }
0x2d: {  	s3 =	simm.s32 $0x108;
	s8 =	sld [smem:$0x3FB4]  }
0x2e: {  	s3 =	simm.s32 @!p0 $0x1082;
	s9 =	sld [smem:$0x3FB5]  }
0x2f: {  	lr =	sadd.s32 s0, s3;
	s0 =	sld [smem:$0x3FAC]  }
0x30: {  	s3 =	sld [smem:$0x3FAF]  }
0x31: {  	[smem:$0x3FB8] =	sst s10  }
0x32: {  	s10 =	sld [smem:$0x3FB6];
	_ =	sdelay $0x3  }
0x33: {  	p0 =	seq.s32 s10, $0x1;
	s10 =	sld [smem:$0x3FB8];
	_ =	sdelay $0x3  }
0x34: {  	[smem:$0x3FB8] =	sst s10  }
0x35: {  	s10 =	sld [smem:$0x3FB7];
	_ =	sdelay $0x3  }
0x36: {  	p1 =	seq.s32 s10, $0x1;
	s10 =	sld [smem:$0x3FB8];
	_ =	sdelay $0x3  }
0x37: {  	[smem:$0x3FB8] =	sst s10  }
0x38: {  	s10 =	sld [smem:$0x3FB9]  }
0x39: {  	_ = 	snop;
	(pc) =	sbr.ind lr, $3  }
0x3a: {  	_ = 	snop  }
0x3b: {  	_ = 	snop  }
0x3c: {  	p2 =	seq.s32 s10, $0x1;
	s10 =	sld [smem:$0x3FB8]  }
0x3d: {  	_ =	shalt  }
0x3e: {  	_ =	shalt  }
0x3f: {  	_ =	shalt  }
0x40: {  	_ =	shalt  }
0x41: {  	_ =	shalt  }
0x42: {  	_ =	shalt  }
0x43: {  	_ =	shalt  }
0x44: {  	_ =	shalt  }
0x45: {  	_ =	shalt  }
0x46: {  	_ =	shalt  }
0x47: {  	_ =	shalt  }
0x48: {  	_ =	shalt  }
0x49: {  	_ =	shalt  }
0x4a: {  	_ =	shalt  }
0x4b: {  	_ =	shalt  }
0x4c: {  	_ =	shalt  }
0x4d: {  	_ =	shalt  }
0x4e: {  	_ =	shalt  }
0x4f: {  	_ =	shalt  }
0x50: {  	_ =	shalt  }
0x51: {  	_ =	shalt  }
0x52: {  	_ =	shalt  }
0x53: {  	_ =	shalt  }
0x54: {  	_ =	shalt  }
0x55: {  	_ =	shalt  }
0x56: {  	_ =	shalt  }
0x57: {  	_ =	shalt  }
0x58: {  	_ =	shalt  }
0x59: {  	_ =	shalt  }
0x5a: {  	_ =	shalt  }
0x5b: {  	_ =	shalt  }
0x5c: {  	_ =	shalt  }
0x5d: {  	_ =	shalt  }
0x5e: {  	_ =	shalt  }
0x5f: {  	_ =	shalt  }
0x60: {  	_ =	shalt  }
0x61: {  	_ =	shalt  }
0x62: {  	_ =	shalt  }
0x63: {  	_ =	shalt  }
0x64: {  	_ =	shalt  }
0x65: {  	_ =	shalt  }
0x66: {  	_ =	shalt  }
0x67: {  	_ =	shalt  }
0x68: {  	_ =	shalt  }
0x69: {  	_ =	shalt  }
0x6a: {  	_ =	shalt  }
0x6b: {  	_ =	shalt  }
0x6c: {  	_ =	shalt  }
0x6d: {  	_ =	shalt  }
0x6e: {  	_ =	shalt  }
0x6f: {  	_ =	shalt  }
0x70: {  	_ =	shalt  }
0x71: {  	_ =	shalt  }
0x72: {  	_ =	shalt  }
0x73: {  	_ =	shalt  }
0x74: {  	_ =	shalt  }
0x75: {  	_ =	shalt  }
0x76: {  	_ =	shalt  }
0x77: {  	_ =	shalt  }
0x78: {  	_ =	shalt  }
0x79: {  	_ =	shalt  }
0x7a: {  	_ =	shalt  }
0x7b: {  	_ =	shalt  }
0x7c: {  	_ =	shalt  }
0x7d: {  	_ =	shalt  }
0x7e: {  	_ =	shalt  }
0x7f: {  	_ =	shalt  }
0x80: {  	_ =	shalt  }
0x81: {  	_ =	shalt  }
0x82: {  	_ =	shalt  }
0x83: {  	_ =	shalt  }
0x84: {  	_ =	shalt  }
0x85: {  	_ =	shalt  }
0x86: {  	_ =	shalt  }
0x87: {  	_ =	shalt  }
.Lfunc_end0:
.L_simem_size_0:
called_computation_lowered:
.L_overlay_start_0:
0x88: {  	s2 =	sld [smem:$0x3FD9]  }
0x89: {  	s3 =	sld [smem:$0x3FFE];
	_ =	sdelay $0x1  }
0x8a: {  	s1 =	srdreg.scid  }
0x8b: {  	s0 =	sand.u32 $0x1, s1  }
0x8c: {  	s18 =	sshll.u32 s0, $0xA;
	s2 =	sadd.s32 s3, s2  }
0x8d: {  	s2 =	sadd.s32 s2, s18  }
0x8e: {  	[smem:$0x3FC4] =	sst s2  }
0x8f: {  	_ = 	snop  }
0x90: {  	s2 =	sld [smem:$0x3FC9]  }
0x91: {  	s19 =	sld [smem:$0x3FC8]  }
0x92: {  	s4 =	sld [smem:$0x3FC7]  }
0x93: {  	s5 =	sld [smem:$0x3FC6]  }
0x94: {  	s6 =	sld [smem:$0x3FD0];
	(tm) =	ssettm $0x1  }
0x95: {  	s7 =	sld [smem:$0x3FFB];
	_ =	sdelay $0x3  }
0x96: {  	_ =	strace s7  }
0x97: {  	s7 =	sld [smem:$0x3FFC];
	_ =	sdelay $0x3  }
0x98: {  	_ =	strace s7  }
0x99: {  	s7 =	sld [smem:$0x3FFD];
	_ =	sdelay $0x3  }
0x9a: {  	_ =	strace s7  }
0x9b: {  	_ =	strace $0x8FFFFFFF  }
0x9c: {  	s20 =	sld [smem:$0x3FDB];
	_ =	sdelay $0x1  }
0x9d: {  	s8 =	simm.s32 $_scs_section_size  }
0x9e: {  	s9 =	simm.s32 $_size__tile_overlayer_lowered;
	s10 =	simm.s32 $_tile_overlayer_lowered  }
0x9f: {  	s23 =	simm.s32 $0x1BFF;
	s22 =	sshll.u32 s10, $0x1;
	s7 =	sadd.s32 s8, s20  }
0xa0: {  	s11 =	simm.s32 $0x0;
	s21 =	sshll.u32 s9, $0x1;
	s9 =	sadd.s32 s22, s7  }
0xa1: {  	[timem:s11], [sflag:s23] =	dma.local [hbm:s9], s21  }
0xa2: {  	_ =	swait.ge [sflag:s23], s21  }
0xa3: {  	s8 =	ssub.s32 $0x0, s21;
	[sflag:s23] =	ssyncset.done $0x0  }
0xa4: {  	[sflag:s23] =	ssyncadd.s32 s8;
	_ =	sdelay $0x1  }
0xa5: {  	s24 =	simm.s32 $0x1B8B  }
0xa6: {  	_ =	swait.ge [sflag:s24], $0x1  }
0xa7: {  	[sflag:s24] =	ssyncset.done $0x0  }
0xa8: {  	s25 =	simm.s32 $0x1B8E;
	[sflag:s24] =	ssyncadd.s32 $0xFFFFFFFF  }
0xa9: {  	s26 =	simm.s32 $execute0_lowered;
	[smem:$0x3FD2] =	sst s25  }
0xaa: {  	s8 =	sshll.u32 s26, $0x1;
	_ =	strace $0x80000046;
	[dreg:$0x1] =	wrdreg $0xFFFFFFFF  }
0xab: {  	s28 =	simm.s32 $_size_execute0_lowered;
	s7 =	sadd.s32 s7, s8;
	[dreg:$0x0] =	wrdreg $0x0  }
0xac: {  	s8 =	sshll.u32 s28, $0x1;
	[dreg:$0x2] =	wrdreg s7  }
0xad: {  	[dreg:$0x3] =	wrdreg s8  }
0xae: {  	[dreg:$0x4] =	wrdreg $0xC0  }
0xaf: {  	_ =	task [dreg:s11], $0x5FFFF  }
0xb0: {  	[dreg:$0x1] =	wrdreg $0xFFFFFFFF  }
0xb1: {  	[dreg:$0x0] =	wrdreg $0x60  }
0xb2: {  	[dreg:$0x2] =	wrdreg s2  }
0xb3: {  	[dreg:$0x3] =	wrdreg s19  }
0xb4: {  	[dreg:$0x4] =	wrdreg s4  }
0xb5: {  	[dreg:$0x5] =	wrdreg s5  }
0xb6: {  	[dreg:$0x6] =	wrdreg s6  }
0xb7: {  	[dreg:$0x7] =	wrdreg $0x9  }
0xb8: {  	_ =	task.clear_ibuf [dreg:s11], $0x8FFFF;
	_ =	strace $0x90000046  }
0xb9: {  	s29 =	simm.s32 $0x9;
	_ =	strace $0x80000048  }
0xba: {  	_ =	swait.ge [sflag:s29], $0x1  }
0xbb: {  	[sflag:s29] =	ssyncadd.s32 $0xFFFFFFFF  }
0xbc: {  	_ =	strace $0x90000048  }
0xbd: {  	_ =	sfence  }
0xbe: {  	s30 =	sld [smem:$0x0];
	_ =	sdelay $0x2  }
0xbf: {  	s31 =	sshll.u32 s1, $0xD;
	s1 =	sshrl.u32 s1, $0x2  }
0xc0: {  	s3 =	sand.u32 $0x4000, s31;
	s1 =	sadd.s32 s1, s30  }
0xc1: {  	s0 =	sor.u32 s3, s0;
	s1 =	sshll.u32 s1, $0x11  }
0xc2: {  	s0 =	sor.u32 s1, s0  }
0xc3: {  	s0 =	sadd.s32 $0x8F2B, s0  }
0xc4: {  	[sflag:s0] =	ssyncadd.remote.s32 $0x1  }
0xc5: {  	_ =	sfence.sel $0xFFFF  }
0xc6: {  	[dreg:$0x0] =	wrdreg $0xFFFFFFFF;
	(pc) =	sbr.abs _section_cstart, $3  }
0xc7: {  	[dreg:$0x1] =	wrdreg $0xFFFFFFFF  }
0xc8: {  	_ =	task.clear_ibuf [dreg:s11], $0x2FFFF;
	_ =	strace $0x9FFFFFFF  }
0xc9: {  	(tm) =	ssettm $0x7FFFFFFF  }
tec
execute0_lowered:
.L_overlay_start_1:
0x0: {  	(tag) =	ssettag $0x1  }
0x1: {  	s0 =	rddreg [dreg:$0x0]  }
0x2: {  	s2 =	rddreg [dreg:$0x1]  }
0x3: {  	s1 =	rddreg [dreg:$0x2]  }
0x4: {  	s3 =	rddreg [dreg:$0x4]  }
0x5: {  	s5 =	srdreg.scid;
	s4 =	simm.s32 $0x0;
	s10 =	stileid.u32  }
0x6: {  	s12 =	simm.s32 $0x1000;
	s28 =	simm.s32 $0x8800;
	s29 =	simm.s32 $0x9000  }
0x7: {  	s30 =	simm.s32 $0x9800;
	s31 =	simm.s32 $0xA000;
	s11 =	simm.s32 $0xE800  }
0x8: {  	s13 =	simm.s32 $0xF000;
	s14 =	simm.s32 $0xF800;
	s15 =	simm.s32 $0x10000  }
0x9: {  	s16 =	simm.s32 $0x10800;
	s17 =	simm.s32 $0x1;
	s18 =	simm.s32 $0x800  }
0xa: {  	s19 =	simm.s32 $0x2;
	s20 =	simm.s32 $0x3;
	s5 =	sand.u32 $0x1, s5  }
0xb: {  	[smem:$0x7FF] =	sst s4;
	s7 =	sshll.u32 s10, $0x1;
	s23 =	sshll.u32 s10, $0x13  }
0xc: {  	s6 =	ssub.s32 $0x2, s5;
	_ =	strace $0x80000047;
	s7 =	sor.u32 s5, s7  }
0xd: {  	s24 =	sshll.u32 s5, $0x12;
	s5 =	simm.s32 $0xC000;
	s8 =	sshrl.u32 s6, $0x1  }
0xe: {  	s22 =	sshll.u32 s7, $0x12;
	s9 =	sshll.u32 s7, $0x9;
	s2 =	sadd.s32 s2, s7  }
0xf: {  	s7 =	simm.s32 $0xC800;
	s6 =	ssub.s32 s6, s8;
	s0 =	sadd.s32 s0, s9  }
0x10: {  	s8 =	sadd.s32 s3, s22;
	[dreg:$0x8] =	wrdreg s2;
	s22 =	simm.s32 $0x5  }
0x11: {  	s2 =	simm.s32 $0xB800;
	s9 =	simm.s32 $0xD800;
	[dreg:$0x6] =	wrdreg s0  }
.Ltmp0:
0x12: {  	s0 =	sadd.s32 s23, s3;
	[dreg:$0x7] =	wrdreg s8;
	(pc) =	sbr.rel .LBB2_1-.Ltmp0, $4  }
0x13: {  	s25 =	sadd.s32 $0x20000, s8;
	s26 =	smax.u32 s6, $0x1;
	s3 =	simm.s32 $0xB000  }
0x14: {  	v2 =	vlaneseq.u32;
	s8 =	simm.s32 $0xD000;
	s6 =	simm.s32 $0xE000;
	[dreg:$0x9] =	wrdreg s25  }
0x15: {  	vm0 =	vmmov $0xffff;
	v1 =	vshrl.u32 v2, $0x3;
	s23 =	simm.s32 $0x0;
	[dreg:$0xa] =	wrdreg s26;
	s10 =	sadd.s32 s24, s0  }
0x16: {  	v0 =	vand.u32 $0x7, v2;
	v2 =	vor.u32 $0x8, v2;
	v1 =	vmul.u32 $0x8, v1;
	s25 =	simm.s32 $0x7800;
	s26 =	simm.s32 $0x8000;
	s0 =	simm.s32 $0xA800  }
.LBB2_5:
0x17: {  	s21 =	simm.s32 $0x4  }
0x18: {  	_ =	swait.ge [sflag:s21], $0x8000  }
0x19: {  	s23 =	simm.s32 $0x11000;
	[sflag:s21] =	ssyncset.done $0x0  }
0x1a: {  	s22 =	simm.s32 $0x5;
	s25 =	rddreg [dreg:$0x8];
	[sflag:s21] =	ssyncadd.s32 $0xFFFF8000  }
0x1b: {  	[tilespmem:s23], [sflag:$0x5] =	stream.linear.gather [hbm4b:s25+s4], $0x8, $0x38;
	[tilespmem:$0x11580] =	vst v63  }
0x1c: {  	_ =	swait.ge [sflag:s22], $0x8  }
0x1d: {  	[sflag:s22] =	ssyncset.done $0x0  }
0x1e: {  	[sflag:s22] =	ssyncadd.s32 $0xFFFFFFF8  }
0x1f: {  	s24 =	simm.s32 $0x8;
	s25 =	simm.s32 $0x11080;
	s26 =	rddreg [dreg:$0x3]  }
0x20: {  	[tilespmem:s25], [sflag:$0x1] =	stream.indirect.gather [hbm4b:s26+s24], $0x80, s23, s24, $0xb8;
	[tilespmem:$0x11580] =	vst v63  }
0x21: {  	_ =	swait.ge [sflag:s17], $0x400  }
0x22: {  	[sflag:s17] =	ssyncset.done $0x0  }
0x23: {  	[sflag:s17] =	ssyncadd.s32 $0xFFFFFC00  }
0x24: {  	v3 =	vld [tilespmem:$0x11080]  }
0x25: {  	v4 =	vld [tilespmem:$0x11090]  }
0x26: {  	v5 =	vld [tilespmem:$0x110A0]  }
0x27: {  	v6 =	vld [tilespmem:$0x110B0]  }
0x28: {  	v7 =	vld [tilespmem:$0x11100]  }
0x29: {  	[tilespmem:$0x11480] =	vst v3;
	v3 =	vld [tilespmem:$0x11110]  }
0x2a: {  	v44 =	vld [tilespmem:$0x11120];
	[tilespmem:$0x11490] =	vst v4  }
0x2b: {  	v45 =	vld [tilespmem:$0x11130];
	[tilespmem:$0x114A0] =	vst v5  }
0x2c: {  	v46 =	vld [tilespmem:$0x11180];
	[tilespmem:$0x114B0] =	vst v6  }
0x2d: {  	v47 =	vld [tilespmem:$0x11190];
	[tilespmem:$0x114C0] =	vst v7  }
0x2e: {  	[tilespmem:$0x114D0] =	vst v3;
	v3 =	vld [tilespmem:$0x111A0]  }
0x2f: {  	v48 =	vld [tilespmem:$0x111B0];
	[tilespmem:$0x114E0] =	vst v44  }
0x30: {  	v49 =	vld [tilespmem:$0x11200];
	[tilespmem:$0x114F0] =	vst v45  }
0x31: {  	v50 =	vld [tilespmem:$0x11210];
	[tilespmem:$0x11500] =	vst v46  }
0x32: {  	v51 =	vld [tilespmem:$0x11220];
	[tilespmem:$0x11510] =	vst v47  }
0x33: {  	[tilespmem:$0x11520] =	vst v3;
	v3 =	vld [tilespmem:$0x11230]  }
0x34: {  	[tilespmem:$0x11530] =	vst v48  }
0x35: {  	[tilespmem:$0x11540] =	vst v49  }
0x36: {  	[tilespmem:$0x11550] =	vst v50  }
0x37: {  	s23 =	simm.s32 $0x80;
	[tilespmem:$0x11560] =	vst v51  }
0x38: {  	s24 =	simm.s32 $0x400;
	s26 =	simm.s32 $0x11480;
	s21 =	rddreg [dreg:$0x7];
	[tilespmem:$0x11570] =	vst v3  }
0x39: {  	[hbm4b:s21+s23] =	stream.strided.scatter [tilespmem:s26], [sflag:$0x5], $0x100, s24, s23, $0x38;
	[tilespmem:$0x11580] =	vst v63  }
0x3a: {  	_ =	swait.ge [sflag:s22], $0x100  }
0x3b: {  	[sflag:s22] =	ssyncset.done $0x0  }
0x3c: {  	[sflag:s22] =	ssyncadd.s32 $0xFFFFFF00  }
0x3d: {  	v3 =	vld [tilespmem:$0x11280]  }
0x3e: {  	v52 =	vld [tilespmem:$0x11290]  }
0x3f: {  	v53 =	vld [tilespmem:$0x112A0]  }
0x40: {  	v54 =	vld [tilespmem:$0x112B0]  }
0x41: {  	v55 =	vld [tilespmem:$0x11300]  }
0x42: {  	[tilespmem:$0x11480] =	vst v3;
	v3 =	vld [tilespmem:$0x11310]  }
0x43: {  	v56 =	vld [tilespmem:$0x11320];
	[tilespmem:$0x11490] =	vst v52  }
0x44: {  	v57 =	vld [tilespmem:$0x11330];
	[tilespmem:$0x114A0] =	vst v53  }
0x45: {  	v58 =	vld [tilespmem:$0x11380];
	[tilespmem:$0x114B0] =	vst v54  }
0x46: {  	v59 =	vld [tilespmem:$0x11390];
	[tilespmem:$0x114C0] =	vst v55  }
0x47: {  	[tilespmem:$0x114D0] =	vst v3;
	v3 =	vld [tilespmem:$0x113A0]  }
0x48: {  	v60 =	vld [tilespmem:$0x113B0];
	[tilespmem:$0x114E0] =	vst v56  }
0x49: {  	v61 =	vld [tilespmem:$0x11400];
	[tilespmem:$0x114F0] =	vst v57  }
0x4a: {  	v62 =	vld [tilespmem:$0x11410];
	[tilespmem:$0x11500] =	vst v58  }
0x4b: {  	v63 =	vld [tilespmem:$0x11420];
	[tilespmem:$0x11510] =	vst v59  }
0x4c: {  	[tilespmem:$0x11520] =	vst v3;
	v3 =	vld [tilespmem:$0x11430]  }
0x4d: {  	[tilespmem:$0x11530] =	vst v60  }
0x4e: {  	[tilespmem:$0x11540] =	vst v61  }
0x4f: {  	[tilespmem:$0x11550] =	vst v62  }
0x50: {  	[tilespmem:$0x11560] =	vst v63  }
0x51: {  	s21 =	rddreg [dreg:$0x9];
	[tilespmem:$0x11570] =	vst v3  }
0x52: {  	[hbm4b:s21+s23] =	stream.strided.scatter [tilespmem:s26], [sflag:$0x5], $0x100, s24, s23, $0x38;
	[tilespmem:$0x11580] =	vst v63  }
0x53: {  	_ =	swait.ge [sflag:s22], $0x100  }
0x54: {  	s21 =	rddreg [dreg:$0xb]  }
0x55: {  	s24 =	rddreg [dreg:$0xa];
	s23 =	sadd.s32 $0x1, s21  }
0x56: {  	p0 =	sne.s32 s23, s24  }
.Ltmp1:
0x57: {  	_ = 	snop;
	(pc) =	sbr.rel @!p0 .LBB2_6-.Ltmp1, $3  }
0x58: {  	_ =	sdelay $0x1  }
0x59: {  	[sflag:s22] =	ssyncset.done $0x0  }
0x5a: {  	s25 =	simm.s32 $0x7800;
	s26 =	simm.s32 $0x8000;
	[sflag:s22] =	ssyncadd.s32 $0xFFFFFF00  }
.LBB2_1:
0x5b: {  	[dreg:$0xb] =	wrdreg s23  }
0x5c: {  	s21 =	rddreg [dreg:$0x6]  }
0x5d: {  	[tilespmem:s4], [sflag:$0x5] =	stream.linear.gather [hbm4b:s21+s4], $0x1000, $0x38;
	[tilespmem:$0x11580] =	vst v63  }
0x5e: {  	_ =	swait.ge [sflag:s22], $0x1000  }
0x5f: {  	[sflag:s22] =	ssyncset.done $0x0  }
0x60: {  	[sflag:s22] =	ssyncadd.s32 $0xFFFFF000  }
0x61: {  	v3 =	vld [tilespmem:$0x0];
	_ =	sdelay $0x4  }
0x62: {  	v4 =	vshll.u32 v3, $0x1  }
0x63: {  	v3 =	vand.u32 $0x7, v3;
	v4 =	vand.u32 $0xFFFFFFF0, v4  }
0x64: {  	v3 =	vor.u32 v3, v4  }
0x65: {  	v4 =	vperm.xlane v3, v0;
	_ =	sdelay $0x1  }
0x66: {  	v3 =	vperm.xlane v3, v2;
	v4 =	vadd.s32 v1, v4;
	_ =	sdelay $0x1  }
0x67: {  	v3 =	vadd.s32 v1, v3;
	_ =	sdelay $0x2  }
0x68: {  	[tilespmem:s12], [sflag:$0x1] =	stream.indirect_vreg.gather [hbm4b:s1+s4], $0x80, v4, vm0, $0xb8;
	[tilespmem:$0x11580] =	vst v63  }
0x69: {  	s22 =	simm.s32 $0x1800  }
0x6a: {  	[tilespmem:s22], [sflag:$0x1] =	stream.indirect_vreg.gather [hbm4b:s1+s4], $0x80, v3, vm0, $0xb8;
	[tilespmem:$0x11580] =	vst v63  }
0x6b: {  	v3 =	vld [tilespmem:$0x10];
	_ =	sdelay $0x4  }
0x6c: {  	v57 =	vshll.u32 v3, $0x1  }
0x6d: {  	v3 =	vand.u32 $0x7, v3;
	v4 =	vand.u32 $0xFFFFFFF0, v57  }
0x6e: {  	v3 =	vor.u32 v3, v4  }
0x6f: {  	v4 =	vperm.xlane v3, v0;
	_ =	sdelay $0x1  }
0x70: {  	v3 =	vperm.xlane v3, v2;
	v4 =	vadd.s32 v1, v4;
	_ =	sdelay $0x1  }
0x71: {  	v3 =	vadd.s32 v1, v3;
	_ =	sdelay $0x1  }
0x72: {  	s23 =	simm.s32 $0x2000  }
0x73: {  	[tilespmem:s23], [sflag:$0x1] =	stream.indirect_vreg.gather [hbm4b:s1+s4], $0x80, v4, vm0, $0xb8;
	[tilespmem:$0x11580] =	vst v63  }
0x74: {  	s24 =	simm.s32 $0x2800  }
0x75: {  	[tilespmem:s24], [sflag:$0x1] =	stream.indirect_vreg.gather [hbm4b:s1+s4], $0x80, v3, vm0, $0xb8;
	[tilespmem:$0x11580] =	vst v63  }
0x76: {  	v3 =	vld [tilespmem:$0x20];
	_ =	sdelay $0x4  }
0x77: {  	v58 =	vshll.u32 v3, $0x1  }
0x78: {  	v3 =	vand.u32 $0x7, v3;
	v4 =	vand.u32 $0xFFFFFFF0, v58  }
0x79: {  	v3 =	vor.u32 v3, v4  }
0x7a: {  	v4 =	vperm.xlane v3, v0;
	_ =	sdelay $0x1  }
0x7b: {  	v3 =	vperm.xlane v3, v2;
	v4 =	vadd.s32 v1, v4;
	_ =	sdelay $0x1  }
0x7c: {  	v3 =	vadd.s32 v1, v3;
	_ =	sdelay $0x1  }
0x7d: {  	s22 =	simm.s32 $0x3000  }
0x7e: {  	[tilespmem:s22], [sflag:$0x1] =	stream.indirect_vreg.gather [hbm4b:s1+s4], $0x80, v4, vm0, $0xb8;
	[tilespmem:$0x11580] =	vst v63  }
0x7f: {  	s23 =	simm.s32 $0x3800  }
0x80: {  	[tilespmem:s23], [sflag:$0x1] =	stream.indirect_vreg.gather [hbm4b:s1+s4], $0x80, v3, vm0, $0xb8;
	[tilespmem:$0x11580] =	vst v63  }
0x81: {  	v3 =	vld [tilespmem:$0x30];
	_ =	sdelay $0x4  }
0x82: {  	v59 =	vshll.u32 v3, $0x1  }
0x83: {  	v3 =	vand.u32 $0x7, v3;
	v4 =	vand.u32 $0xFFFFFFF0, v59  }
0x84: {  	v3 =	vor.u32 v3, v4  }
0x85: {  	v4 =	vperm.xlane v3, v0;
	_ =	sdelay $0x1  }
0x86: {  	v3 =	vperm.xlane v3, v2;
	v4 =	vadd.s32 v1, v4;
	_ =	sdelay $0x1  }
0x87: {  	v3 =	vadd.s32 v1, v3;
	_ =	sdelay $0x1  }
0x88: {  	s24 =	simm.s32 $0x4000  }
0x89: {  	[tilespmem:s24], [sflag:$0x1] =	stream.indirect_vreg.gather [hbm4b:s1+s4], $0x80, v4, vm0, $0xb8;
	[tilespmem:$0x11580] =	vst v63  }
0x8a: {  	s22 =	simm.s32 $0x4800  }
0x8b: {  	[tilespmem:s22], [sflag:$0x1] =	stream.indirect_vreg.gather [hbm4b:s1+s4], $0x80, v3, vm0, $0xb8;
	[tilespmem:$0x11580] =	vst v63  }
0x8c: {  	v3 =	vld [tilespmem:$0x40];
	_ =	sdelay $0x4  }
0x8d: {  	v60 =	vshll.u32 v3, $0x1  }
0x8e: {  	v3 =	vand.u32 $0x7, v3;
	v4 =	vand.u32 $0xFFFFFFF0, v60  }
0x8f: {  	v3 =	vor.u32 v3, v4  }
0x90: {  	v4 =	vperm.xlane v3, v0;
	_ =	sdelay $0x1  }
0x91: {  	v3 =	vperm.xlane v3, v2;
	v4 =	vadd.s32 v1, v4;
	_ =	sdelay $0x1  }
0x92: {  	v3 =	vadd.s32 v1, v3;
	_ =	sdelay $0x1  }
0x93: {  	s23 =	simm.s32 $0x5000  }
0x94: {  	[tilespmem:s23], [sflag:$0x1] =	stream.indirect_vreg.gather [hbm4b:s1+s4], $0x80, v4, vm0, $0xb8;
	[tilespmem:$0x11580] =	vst v63  }
0x95: {  	s24 =	simm.s32 $0x5800  }
0x96: {  	[tilespmem:s24], [sflag:$0x1] =	stream.indirect_vreg.gather [hbm4b:s1+s4], $0x80, v3, vm0, $0xb8;
	[tilespmem:$0x11580] =	vst v63  }
0x97: {  	v3 =	vld [tilespmem:$0x50];
	_ =	sdelay $0x4  }
0x98: {  	v61 =	vshll.u32 v3, $0x1  }
0x99: {  	v3 =	vand.u32 $0x7, v3;
	v4 =	vand.u32 $0xFFFFFFF0, v61  }
0x9a: {  	v3 =	vor.u32 v3, v4  }
0x9b: {  	v4 =	vperm.xlane v3, v0;
	_ =	sdelay $0x1  }
0x9c: {  	v3 =	vperm.xlane v3, v2;
	v4 =	vadd.s32 v1, v4;
	_ =	sdelay $0x1  }
0x9d: {  	v3 =	vadd.s32 v1, v3;
	_ =	sdelay $0x1  }
0x9e: {  	s22 =	simm.s32 $0x6000  }
0x9f: {  	[tilespmem:s22], [sflag:$0x1] =	stream.indirect_vreg.gather [hbm4b:s1+s4], $0x80, v4, vm0, $0xb8;
	[tilespmem:$0x11580] =	vst v63  }
0xa0: {  	s23 =	simm.s32 $0x6800  }
0xa1: {  	[tilespmem:s23], [sflag:$0x1] =	stream.indirect_vreg.gather [hbm4b:s1+s4], $0x80, v3, vm0, $0xb8;
	[tilespmem:$0x11580] =	vst v63  }
0xa2: {  	v3 =	vld [tilespmem:$0x60];
	_ =	sdelay $0x4  }
0xa3: {  	v62 =	vshll.u32 v3, $0x1  }
0xa4: {  	v3 =	vand.u32 $0x7, v3;
	v4 =	vand.u32 $0xFFFFFFF0, v62  }
0xa5: {  	v3 =	vor.u32 v3, v4  }
0xa6: {  	v4 =	vperm.xlane v3, v0;
	_ =	sdelay $0x1  }
0xa7: {  	v3 =	vperm.xlane v3, v2;
	v4 =	vadd.s32 v1, v4;
	_ =	sdelay $0x1  }
0xa8: {  	v3 =	vadd.s32 v1, v3;
	_ =	sdelay $0x1  }
0xa9: {  	s24 =	simm.s32 $0x7000  }
0xaa: {  	[tilespmem:s24], [sflag:$0x1] =	stream.indirect_vreg.gather [hbm4b:s1+s4], $0x80, v4, vm0, $0xb8;
	[tilespmem:$0x11580] =	vst v63  }
0xab: {  	_ = 	snop  }
0xac: {  	[tilespmem:s25], [sflag:$0x1] =	stream.indirect_vreg.gather [hbm4b:s1+s4], $0x80, v3, vm0, $0xb8;
	[tilespmem:$0x11580] =	vst v63  }
0xad: {  	v3 =	vld [tilespmem:$0x70];
	_ =	sdelay $0x4  }
0xae: {  	v63 =	vshll.u32 v3, $0x1  }
0xaf: {  	v3 =	vand.u32 $0x7, v3;
	v4 =	vand.u32 $0xFFFFFFF0, v63  }
0xb0: {  	v3 =	vor.u32 v3, v4  }
0xb1: {  	v4 =	vperm.xlane v3, v0;
	_ =	sdelay $0x1  }
0xb2: {  	v3 =	vperm.xlane v3, v2;
	v4 =	vadd.s32 v1, v4;
	_ =	sdelay $0x1  }
0xb3: {  	v3 =	vadd.s32 v1, v3  }
.Ltmp2:
0xb4: {  	_ = 	snop;
	(pc) =	sbr.rel .LBB2_2-.Ltmp2, $4  }
0xb5: {  	_ = 	snop  }
0xb6: {  	[tilespmem:s26], [sflag:$0x1] =	stream.indirect_vreg.gather [hbm4b:s1+s4], $0x80, v4, vm0, $0xb8;
	[tilespmem:$0x11580] =	vst v63  }
0xb7: {  	s21 =	simm.s32 $0xC0;
	s22 =	simm.s32 $0x0  }
0xb8: {  	[tilespmem:s28], [sflag:$0x1] =	stream.indirect_vreg.gather [hbm4b:s1+s4], $0x80, v3, vm0, $0xb8;
	[tilespmem:$0x11580] =	vst v63  }
.LBB2_4:
0xb9: {  	s22 =	sadd.s32 $0x4000, s22  }
0xba: {  	p0 =	sne.s32 s22, $0x40000  }
.Ltmp3:
0xbb: {  	_ = 	snop;
	(pc) =	sbr.rel @!p0 .LBB2_5-.Ltmp3, $4  }
0xbc: {  	_ =	swait.ge [sflag:s19], $0x8000  }
0xbd: {  	[sflag:s19] =	ssyncset.done $0x0  }
0xbe: {  	s23 =	sadd.s32 $0x2000, s23;
	s21 =	sadd.s32 $0x100, s21;
	[sflag:s19] =	ssyncadd.s32 $0xFFFF8000  }
0xbf: {  	[hbm4b:s23+s18] =	stream.strided.scatter [tilespmem:s29], [sflag:$0x4], $0x8000, s12, s18, $0x38;
	[tilespmem:$0x11580] =	vst v63  }
.LBB2_2:
0xc0: {  	p0 =	seq.s32 s22, $0x0  }
0xc1: {  	s23 =	simm.s32 @!p0 $0x4  }
0xc2: {  	_ =	swait.ge @!p0 [sflag:s23], $0x8000  }
0xc3: {  	[sflag:s23] =	ssyncset.done @!p0 $0x0  }
0xc4: {  	[sflag:s23] =	ssyncadd.s32 @!p0 $0xFFFF8000  }
0xc5: {  	v3 =	vld [tilespmem:s21+$0xFFFFFFC0];
	_ =	sdelay $0x4  }
0xc6: {  	v4 =	vshll.u32 v3, $0x1  }
0xc7: {  	v3 =	vand.u32 $0x7, v3;
	v4 =	vand.u32 $0xFFFFFFF0, v4  }
0xc8: {  	v3 =	vor.u32 v3, v4  }
0xc9: {  	v4 =	vperm.xlane v3, v0;
	_ =	sdelay $0x1  }
0xca: {  	v3 =	vperm.xlane v3, v2;
	v4 =	vadd.s32 v1, v4;
	_ =	sdelay $0x1  }
0xcb: {  	v3 =	vadd.s32 v1, v3;
	_ =	sdelay $0x2  }
0xcc: {  	[tilespmem:s29], [sflag:$0x2] =	stream.indirect_vreg.gather [hbm4b:s1+s4], $0x80, v4, vm0, $0xb8;
	[tilespmem:$0x11580] =	vst v63  }
0xcd: {  	_ = 	snop  }
0xce: {  	[tilespmem:s30], [sflag:$0x2] =	stream.indirect_vreg.gather [hbm4b:s1+s4], $0x80, v3, vm0, $0xb8;
	[tilespmem:$0x11580] =	vst v63  }
0xcf: {  	v3 =	vld [tilespmem:s21+$0xFFFFFFD0];
	_ =	sdelay $0x4  }
0xd0: {  	v57 =	vshll.u32 v3, $0x1  }
0xd1: {  	v3 =	vand.u32 $0x7, v3;
	v4 =	vand.u32 $0xFFFFFFF0, v57  }
0xd2: {  	v3 =	vor.u32 v3, v4  }
0xd3: {  	v4 =	vperm.xlane v3, v0;
	_ =	sdelay $0x1  }
0xd4: {  	v3 =	vperm.xlane v3, v2;
	v4 =	vadd.s32 v1, v4;
	_ =	sdelay $0x1  }
0xd5: {  	v3 =	vadd.s32 v1, v3;
	_ =	sdelay $0x2  }
0xd6: {  	[tilespmem:s31], [sflag:$0x2] =	stream.indirect_vreg.gather [hbm4b:s1+s4], $0x80, v4, vm0, $0xb8;
	[tilespmem:$0x11580] =	vst v63  }
0xd7: {  	_ = 	snop  }
0xd8: {  	[tilespmem:s0], [sflag:$0x2] =	stream.indirect_vreg.gather [hbm4b:s1+s4], $0x80, v3, vm0, $0xb8;
	[tilespmem:$0x11580] =	vst v63  }
0xd9: {  	v3 =	vld [tilespmem:s21+$0xFFFFFFE0];
	_ =	sdelay $0x4  }
0xda: {  	v58 =	vshll.u32 v3, $0x1  }
0xdb: {  	v3 =	vand.u32 $0x7, v3;
	v4 =	vand.u32 $0xFFFFFFF0, v58  }
0xdc: {  	v3 =	vor.u32 v3, v4  }
0xdd: {  	v4 =	vperm.xlane v3, v0;
	_ =	sdelay $0x1  }
0xde: {  	v3 =	vperm.xlane v3, v2;
	v4 =	vadd.s32 v1, v4;
	_ =	sdelay $0x1  }
0xdf: {  	v3 =	vadd.s32 v1, v3;
	_ =	sdelay $0x2  }
0xe0: {  	[tilespmem:s3], [sflag:$0x2] =	stream.indirect_vreg.gather [hbm4b:s1+s4], $0x80, v4, vm0, $0xb8;
	[tilespmem:$0x11580] =	vst v63  }
0xe1: {  	_ = 	snop  }
0xe2: {  	[tilespmem:s2], [sflag:$0x2] =	stream.indirect_vreg.gather [hbm4b:s1+s4], $0x80, v3, vm0, $0xb8;
	[tilespmem:$0x11580] =	vst v63  }
0xe3: {  	v3 =	vld [tilespmem:s21+$0xFFFFFFF0];
	_ =	sdelay $0x4  }
0xe4: {  	v59 =	vshll.u32 v3, $0x1  }
0xe5: {  	v3 =	vand.u32 $0x7, v3;
	v4 =	vand.u32 $0xFFFFFFF0, v59  }
0xe6: {  	v3 =	vor.u32 v3, v4  }
0xe7: {  	v4 =	vperm.xlane v3, v0;
	_ =	sdelay $0x1  }
0xe8: {  	v3 =	vperm.xlane v3, v2;
	v4 =	vadd.s32 v1, v4;
	_ =	sdelay $0x1  }
0xe9: {  	v3 =	vadd.s32 v1, v3;
	_ =	sdelay $0x2  }
0xea: {  	[tilespmem:s5], [sflag:$0x2] =	stream.indirect_vreg.gather [hbm4b:s1+s4], $0x80, v4, vm0, $0xb8;
	[tilespmem:$0x11580] =	vst v63  }
0xeb: {  	_ = 	snop  }
0xec: {  	[tilespmem:s7], [sflag:$0x2] =	stream.indirect_vreg.gather [hbm4b:s1+s4], $0x80, v3, vm0, $0xb8;
	[tilespmem:$0x11580] =	vst v63  }
0xed: {  	v3 =	vld [tilespmem:s21+$0x0];
	_ =	sdelay $0x4  }
0xee: {  	v60 =	vshll.u32 v3, $0x1  }
0xef: {  	v3 =	vand.u32 $0x7, v3;
	v4 =	vand.u32 $0xFFFFFFF0, v60  }
0xf0: {  	v3 =	vor.u32 v3, v4  }
0xf1: {  	v4 =	vperm.xlane v3, v0;
	_ =	sdelay $0x1  }
0xf2: {  	v3 =	vperm.xlane v3, v2;
	v4 =	vadd.s32 v1, v4;
	_ =	sdelay $0x1  }
0xf3: {  	v3 =	vadd.s32 v1, v3;
	_ =	sdelay $0x2  }
0xf4: {  	[tilespmem:s8], [sflag:$0x2] =	stream.indirect_vreg.gather [hbm4b:s1+s4], $0x80, v4, vm0, $0xb8;
	[tilespmem:$0x11580] =	vst v63  }
0xf5: {  	_ = 	snop  }
0xf6: {  	[tilespmem:s9], [sflag:$0x2] =	stream.indirect_vreg.gather [hbm4b:s1+s4], $0x80, v3, vm0, $0xb8;
	[tilespmem:$0x11580] =	vst v63  }
0xf7: {  	v3 =	vld [tilespmem:s21+$0x10];
	_ =	sdelay $0x4  }
0xf8: {  	v61 =	vshll.u32 v3, $0x1  }
0xf9: {  	v3 =	vand.u32 $0x7, v3;
	v4 =	vand.u32 $0xFFFFFFF0, v61  }
0xfa: {  	v3 =	vor.u32 v3, v4  }
0xfb: {  	v4 =	vperm.xlane v3, v0;
	_ =	sdelay $0x1  }
0xfc: {  	v3 =	vperm.xlane v3, v2;
	v4 =	vadd.s32 v1, v4;
	_ =	sdelay $0x1  }
0xfd: {  	v3 =	vadd.s32 v1, v3;
	_ =	sdelay $0x2  }
0xfe: {  	[tilespmem:s6], [sflag:$0x2] =	stream.indirect_vreg.gather [hbm4b:s1+s4], $0x80, v4, vm0, $0xb8;
	[tilespmem:$0x11580] =	vst v63  }
0xff: {  	_ = 	snop  }
0x100: {  	[tilespmem:s11], [sflag:$0x2] =	stream.indirect_vreg.gather [hbm4b:s1+s4], $0x80, v3, vm0, $0xb8;
	[tilespmem:$0x11580] =	vst v63  }
0x101: {  	v3 =	vld [tilespmem:s21+$0x20];
	_ =	sdelay $0x4  }
0x102: {  	v62 =	vshll.u32 v3, $0x1  }
0x103: {  	v3 =	vand.u32 $0x7, v3;
	v4 =	vand.u32 $0xFFFFFFF0, v62  }
0x104: {  	v3 =	vor.u32 v3, v4  }
0x105: {  	v4 =	vperm.xlane v3, v0;
	_ =	sdelay $0x1  }
0x106: {  	v3 =	vperm.xlane v3, v2;
	v4 =	vadd.s32 v1, v4;
	_ =	sdelay $0x1  }
0x107: {  	v3 =	vadd.s32 v1, v3;
	_ =	sdelay $0x2  }
0x108: {  	[tilespmem:s13], [sflag:$0x2] =	stream.indirect_vreg.gather [hbm4b:s1+s4], $0x80, v4, vm0, $0xb8;
	[tilespmem:$0x11580] =	vst v63  }
0x109: {  	_ = 	snop  }
0x10a: {  	[tilespmem:s14], [sflag:$0x2] =	stream.indirect_vreg.gather [hbm4b:s1+s4], $0x80, v3, vm0, $0xb8;
	[tilespmem:$0x11580] =	vst v63  }
0x10b: {  	v3 =	vld [tilespmem:s21+$0x30];
	_ =	sdelay $0x4  }
0x10c: {  	v63 =	vshll.u32 v3, $0x1  }
0x10d: {  	v3 =	vand.u32 $0x7, v3;
	v4 =	vand.u32 $0xFFFFFFF0, v63  }
0x10e: {  	v3 =	vor.u32 v3, v4  }
0x10f: {  	v4 =	vperm.xlane v3, v0;
	_ =	sdelay $0x1  }
0x110: {  	v3 =	vperm.xlane v3, v2;
	v4 =	vadd.s32 v1, v4;
	_ =	sdelay $0x1  }
0x111: {  	v3 =	vadd.s32 v1, v3;
	_ =	sdelay $0x2  }
0x112: {  	[tilespmem:s15], [sflag:$0x2] =	stream.indirect_vreg.gather [hbm4b:s1+s4], $0x80, v4, vm0, $0xb8;
	[tilespmem:$0x11580] =	vst v63  }
0x113: {  	p0 =	seq.s32 s22, $0x3C000  }
0x114: {  	[tilespmem:s16], [sflag:$0x2] =	stream.indirect_vreg.gather [hbm4b:s1+s4], $0x80, v3, vm0, $0xb8;
	[tilespmem:$0x11580] =	vst v63  }
.Ltmp4:
0x115: {  	_ = 	snop;
	(pc) =	sbr.rel @p0 .LBB2_4-.Ltmp4, $4  }
0x116: {  	_ =	swait.ge [sflag:s17], $0x8000  }
0x117: {  	[sflag:s17] =	ssyncset.done $0x0  }
0x118: {  	s23 =	sadd.s32 s22, s10;
	[sflag:s17] =	ssyncadd.s32 $0xFFFF8000  }
0x119: {  	[hbm4b:s23+s18] =	stream.strided.scatter [tilespmem:s12], [sflag:$0x3], $0x8000, s12, s18, $0x38;
	[tilespmem:$0x11580] =	vst v63  }
0x11a: {  	_ =	swait.ge [sflag:s20], $0x8000  }
0x11b: {  	[sflag:s20] =	ssyncset.done $0x0  }
0x11c: {  	[sflag:s20] =	ssyncadd.s32 $0xFFFF8000  }
0x11d: {  	v3 =	vld [tilespmem:s21+$0x40];
	_ =	sdelay $0x4  }
0x11e: {  	v4 =	vshll.u32 v3, $0x1  }
0x11f: {  	v3 =	vand.u32 $0x7, v3;
	v4 =	vand.u32 $0xFFFFFFF0, v4  }
0x120: {  	v3 =	vor.u32 v3, v4  }
0x121: {  	v4 =	vperm.xlane v3, v0;
	_ =	sdelay $0x1  }
0x122: {  	v3 =	vperm.xlane v3, v2;
	v4 =	vadd.s32 v1, v4;
	_ =	sdelay $0x1  }
0x123: {  	v3 =	vadd.s32 v1, v3;
	_ =	sdelay $0x2  }
0x124: {  	[tilespmem:s12], [sflag:$0x1] =	stream.indirect_vreg.gather [hbm4b:s1+s4], $0x80, v4, vm0, $0xb8;
	[tilespmem:$0x11580] =	vst v63  }
0x125: {  	s24 =	simm.s32 $0x1800  }
0x126: {  	[tilespmem:s24], [sflag:$0x1] =	stream.indirect_vreg.gather [hbm4b:s1+s4], $0x80, v3, vm0, $0xb8;
	[tilespmem:$0x11580] =	vst v63  }
0x127: {  	v3 =	vld [tilespmem:s21+$0x50];
	_ =	sdelay $0x4  }
0x128: {  	v57 =	vshll.u32 v3, $0x1  }
0x129: {  	v3 =	vand.u32 $0x7, v3;
	v4 =	vand.u32 $0xFFFFFFF0, v57  }
0x12a: {  	v3 =	vor.u32 v3, v4  }
0x12b: {  	v4 =	vperm.xlane v3, v0;
	_ =	sdelay $0x1  }
0x12c: {  	v3 =	vperm.xlane v3, v2;
	v4 =	vadd.s32 v1, v4;
	_ =	sdelay $0x1  }
0x12d: {  	v3 =	vadd.s32 v1, v3;
	_ =	sdelay $0x1  }
0x12e: {  	s24 =	simm.s32 $0x2000  }
0x12f: {  	[tilespmem:s24], [sflag:$0x1] =	stream.indirect_vreg.gather [hbm4b:s1+s4], $0x80, v4, vm0, $0xb8;
	[tilespmem:$0x11580] =	vst v63  }
0x130: {  	s24 =	simm.s32 $0x2800  }
0x131: {  	[tilespmem:s24], [sflag:$0x1] =	stream.indirect_vreg.gather [hbm4b:s1+s4], $0x80, v3, vm0, $0xb8;
	[tilespmem:$0x11580] =	vst v63  }
0x132: {  	v3 =	vld [tilespmem:s21+$0x60];
	_ =	sdelay $0x4  }
0x133: {  	v58 =	vshll.u32 v3, $0x1  }
0x134: {  	v3 =	vand.u32 $0x7, v3;
	v4 =	vand.u32 $0xFFFFFFF0, v58  }
0x135: {  	v3 =	vor.u32 v3, v4  }
0x136: {  	v4 =	vperm.xlane v3, v0;
	_ =	sdelay $0x1  }
0x137: {  	v3 =	vperm.xlane v3, v2;
	v4 =	vadd.s32 v1, v4;
	_ =	sdelay $0x1  }
0x138: {  	v3 =	vadd.s32 v1, v3;
	_ =	sdelay $0x1  }
0x139: {  	s24 =	simm.s32 $0x3000  }
0x13a: {  	[tilespmem:s24], [sflag:$0x1] =	stream.indirect_vreg.gather [hbm4b:s1+s4], $0x80, v4, vm0, $0xb8;
	[tilespmem:$0x11580] =	vst v63  }
0x13b: {  	s24 =	simm.s32 $0x3800  }
0x13c: {  	[tilespmem:s24], [sflag:$0x1] =	stream.indirect_vreg.gather [hbm4b:s1+s4], $0x80, v3, vm0, $0xb8;
	[tilespmem:$0x11580] =	vst v63  }
0x13d: {  	v3 =	vld [tilespmem:s21+$0x70];
	_ =	sdelay $0x4  }
0x13e: {  	v59 =	vshll.u32 v3, $0x1  }
0x13f: {  	v3 =	vand.u32 $0x7, v3;
	v4 =	vand.u32 $0xFFFFFFF0, v59  }
0x140: {  	v3 =	vor.u32 v3, v4  }
0x141: {  	v4 =	vperm.xlane v3, v0;
	_ =	sdelay $0x1  }
0x142: {  	v3 =	vperm.xlane v3, v2;
	v4 =	vadd.s32 v1, v4;
	_ =	sdelay $0x1  }
0x143: {  	v3 =	vadd.s32 v1, v3;
	_ =	sdelay $0x1  }
0x144: {  	s24 =	simm.s32 $0x4000  }
0x145: {  	[tilespmem:s24], [sflag:$0x1] =	stream.indirect_vreg.gather [hbm4b:s1+s4], $0x80, v4, vm0, $0xb8;
	[tilespmem:$0x11580] =	vst v63  }
0x146: {  	s24 =	simm.s32 $0x4800  }
0x147: {  	[tilespmem:s24], [sflag:$0x1] =	stream.indirect_vreg.gather [hbm4b:s1+s4], $0x80, v3, vm0, $0xb8;
	[tilespmem:$0x11580] =	vst v63  }
0x148: {  	v3 =	vld [tilespmem:s21+$0x80];
	_ =	sdelay $0x4  }
0x149: {  	v60 =	vshll.u32 v3, $0x1  }
0x14a: {  	v3 =	vand.u32 $0x7, v3;
	v4 =	vand.u32 $0xFFFFFFF0, v60  }
0x14b: {  	v3 =	vor.u32 v3, v4  }
0x14c: {  	v4 =	vperm.xlane v3, v0;
	_ =	sdelay $0x1  }
0x14d: {  	v3 =	vperm.xlane v3, v2;
	v4 =	vadd.s32 v1, v4;
	_ =	sdelay $0x1  }
0x14e: {  	v3 =	vadd.s32 v1, v3;
	_ =	sdelay $0x1  }
0x14f: {  	s24 =	simm.s32 $0x5000  }
0x150: {  	[tilespmem:s24], [sflag:$0x1] =	stream.indirect_vreg.gather [hbm4b:s1+s4], $0x80, v4, vm0, $0xb8;
	[tilespmem:$0x11580] =	vst v63  }
0x151: {  	s24 =	simm.s32 $0x5800  }
0x152: {  	[tilespmem:s24], [sflag:$0x1] =	stream.indirect_vreg.gather [hbm4b:s1+s4], $0x80, v3, vm0, $0xb8;
	[tilespmem:$0x11580] =	vst v63  }
0x153: {  	v3 =	vld [tilespmem:s21+$0x90];
	_ =	sdelay $0x4  }
0x154: {  	v61 =	vshll.u32 v3, $0x1  }
0x155: {  	v3 =	vand.u32 $0x7, v3;
	v4 =	vand.u32 $0xFFFFFFF0, v61  }
0x156: {  	v3 =	vor.u32 v3, v4  }
0x157: {  	v4 =	vperm.xlane v3, v0;
	_ =	sdelay $0x1  }
0x158: {  	v3 =	vperm.xlane v3, v2;
	v4 =	vadd.s32 v1, v4;
	_ =	sdelay $0x1  }
0x159: {  	v3 =	vadd.s32 v1, v3;
	_ =	sdelay $0x1  }
0x15a: {  	s24 =	simm.s32 $0x6000  }
0x15b: {  	[tilespmem:s24], [sflag:$0x1] =	stream.indirect_vreg.gather [hbm4b:s1+s4], $0x80, v4, vm0, $0xb8;
	[tilespmem:$0x11580] =	vst v63  }
0x15c: {  	s24 =	simm.s32 $0x6800  }
0x15d: {  	[tilespmem:s24], [sflag:$0x1] =	stream.indirect_vreg.gather [hbm4b:s1+s4], $0x80, v3, vm0, $0xb8;
	[tilespmem:$0x11580] =	vst v63  }
0x15e: {  	v3 =	vld [tilespmem:s21+$0xA0];
	_ =	sdelay $0x4  }
0x15f: {  	v62 =	vshll.u32 v3, $0x1  }
0x160: {  	v3 =	vand.u32 $0x7, v3;
	v4 =	vand.u32 $0xFFFFFFF0, v62  }
0x161: {  	v3 =	vor.u32 v3, v4  }
0x162: {  	v4 =	vperm.xlane v3, v0;
	_ =	sdelay $0x1  }
0x163: {  	v3 =	vperm.xlane v3, v2;
	v4 =	vadd.s32 v1, v4;
	_ =	sdelay $0x1  }
0x164: {  	v3 =	vadd.s32 v1, v3;
	_ =	sdelay $0x1  }
0x165: {  	s24 =	simm.s32 $0x7000  }
0x166: {  	[tilespmem:s24], [sflag:$0x1] =	stream.indirect_vreg.gather [hbm4b:s1+s4], $0x80, v4, vm0, $0xb8;
	[tilespmem:$0x11580] =	vst v63  }
0x167: {  	_ = 	snop  }
0x168: {  	[tilespmem:s25], [sflag:$0x1] =	stream.indirect_vreg.gather [hbm4b:s1+s4], $0x80, v3, vm0, $0xb8;
	[tilespmem:$0x11580] =	vst v63  }
0x169: {  	v3 =	vld [tilespmem:s21+$0xB0];
	_ =	sdelay $0x4  }
0x16a: {  	v63 =	vshll.u32 v3, $0x1  }
0x16b: {  	v3 =	vand.u32 $0x7, v3;
	v4 =	vand.u32 $0xFFFFFFF0, v63  }
0x16c: {  	v3 =	vor.u32 v3, v4  }
0x16d: {  	v4 =	vperm.xlane v3, v0;
	_ =	sdelay $0x1  }
0x16e: {  	v3 =	vperm.xlane v3, v2;
	v4 =	vadd.s32 v1, v4;
	_ =	sdelay $0x1  }
0x16f: {  	v3 =	vadd.s32 v1, v3  }
.Ltmp5:
0x170: {  	_ = 	snop;
	(pc) =	sbr.rel .LBB2_4-.Ltmp5, $4  }
0x171: {  	_ = 	snop  }
0x172: {  	[tilespmem:s26], [sflag:$0x1] =	stream.indirect_vreg.gather [hbm4b:s1+s4], $0x80, v4, vm0, $0xb8;
	[tilespmem:$0x11580] =	vst v63  }
0x173: {  	_ = 	snop  }
0x174: {  	[tilespmem:s28], [sflag:$0x1] =	stream.indirect_vreg.gather [hbm4b:s1+s4], $0x80, v3, vm0, $0xb8;
	[tilespmem:$0x11580] =	vst v63  }
.LBB2_6:
0x175: {  	_ =	sfence.sel $0x180000  }
0x176: {  	[bflag:$0x0] =	sbarrier.arrive $0xFFFF  }
0x177: {  	_ =	strace $0x90000047  }
0x178: {  	s0 =	stileid.u32;
	[bflag:$0x2] =	sbarrier.arrive $0xFFFF  }
0x179: {  	p0 =	sne.s32 s0, $0x0;
	s0 =	rddreg [dreg:$0x5]  }
0x17a: {  	s0 =	sadd.s32 @!p0 $0x100000, s0  }
0x17b: {  	[sflag:s0] =	ssyncadd.tile.s32 @!p0 $0x1;
	_ =	shalt  }
.Lfunc_end2:
_tile_overlayer_lowered:
.L_overlay_start_2:
0x17c: {  	(tag) =	ssettag $0x2  }
0x17d: {  	s0 =	rddreg [dreg:$0x0];
	s2 =	stileid.u32  }
0x17e: {  	s1 =	rddreg [dreg:$0x1];
	p0 =	sne.s32 s2, $0x0  }
0x17f: {  	s3 =	rddreg [dreg:$0x2];
	[bflag:$0x3] =	sbarrier.arrive $0xFFFF;
	s2 =	simm.s32 @!p0 $0x1C05  }
0x180: {  	[timem:s3], [sflag:s2] =	dma.local @!p0 [hbm:s0], s1  }
0x181: {  	s0 =	simm.s32 @!p0 $0x5  }
0x182: {  	_ =	swait.ge @!p0 [sflag:s0], s1  }
0x183: {  	s1 =	ssub.s32 @!p0 $0x0, s1;
	[sflag:s0] =	ssyncset.done @!p0 $0x0  }
0x184: {  	[sflag:s0] =	ssyncadd.s32 @!p0 s1  }
0x185: {  	[bflag:$0x3] =	sbarrier.arrive $0xFFFF  }
0x186: {  	_ =	shalt  }

</sc_bundles>
